<compile_context>
chip_gen: v7x
topology: tpu7x:2x2x1
jax: 0.10.2.dev20260603
libtpu: 0.0.44.dev20260713+nightly
codegen_flags: <defaults>
</compile_context>

<pallas_src>
import functools

import numpy as np
import jax
import jax.numpy as jnp
from jax import lax
from jax.experimental import pallas as pl
from jax.experimental.pallas import tpu as pltpu
from jax.experimental.pallas import tpu_sc as plsc

_B, _C, _H, _W = 16, 3, 512, 512
_HS, _WS = 128, 128
_CIN = 2 * _C
_E, _K = 8, 2
_COUT = 16
_HWS = _HS * _WS
_INPUT_SIZE = _CIN * _HWS
_EPS = float(np.finfo(np.float64).eps)


def _resize_matrix(in_size: int, out_size: int) -> np.ndarray:
    scale = out_size / in_size
    inv_scale = 1.0 / scale
    kernel_scale = max(inv_scale, 1.0)
    sample_f = (np.arange(out_size, dtype=np.float64) + 0.5) * inv_scale - 0.5
    x = np.abs(sample_f[np.newaxis, :]
               - np.arange(in_size, dtype=np.float64)[:, np.newaxis]) / kernel_scale
    w = np.maximum(0.0, 1.0 - x)
    total = np.sum(w, axis=0, keepdims=True)
    safe_total = np.where(total != 0, total, 1.0)
    w = np.where(np.abs(total) > 1000.0 * np.finfo(np.float32).eps, w / safe_total, 0.0)
    keep = (sample_f >= -0.5) & (sample_f <= in_size - 0.5)
    w = np.where(keep[np.newaxis, :], w, 0.0)
    return np.ascontiguousarray(w.T.astype(np.float32))


_RH = _resize_matrix(_H, _HS)
_RWT = np.ascontiguousarray(_resize_matrix(_W, _WS).T)
_TAPS_LO = [(int(c), float(_RH[0, c])) for c in np.nonzero(_RH[0])[0]]
_TAPS_HI = [(int(c), float(_RH[_HS - 1, c])) for c in np.nonzero(_RH[_HS - 1])[0]]


def _split3(p):
    hi = p.astype(jnp.bfloat16)
    r1 = p - hi.astype(jnp.float32)
    mid = r1.astype(jnp.bfloat16)
    lo = (r1 - mid.astype(jnp.float32)).astype(jnp.bfloat16)
    return hi, mid, lo


def _resize_plane(p, rh, rwt):
    hi, mid, lo = _split3(p)
    t = (jnp.dot(rh, hi, preferred_element_type=jnp.float32)
         + jnp.dot(rh, mid, preferred_element_type=jnp.float32)
         + jnp.dot(rh, lo, preferred_element_type=jnp.float32))
    row0 = sum(w * p[i:i + 1, :] for i, w in _TAPS_LO)
    rowN = sum(w * p[i:i + 1, :] for i, w in _TAPS_HI)
    t = jnp.concatenate([row0, t[1:_HS - 1], rowN], axis=0)
    thi, tmid, tlo = _split3(t)
    y = (jnp.dot(thi, rwt, preferred_element_type=jnp.float32)
         + jnp.dot(tmid, rwt, preferred_element_type=jnp.float32)
         + jnp.dot(tlo, rwt, preferred_element_type=jnp.float32))
    col0 = sum(w * t[:, i:i + 1] for i, w in _TAPS_LO)
    colN = sum(w * t[:, i:i + 1] for i, w in _TAPS_HI)
    return jnp.concatenate([col0, y[:, 1:_WS - 1], colN], axis=1)


def _resize_body(src_ref, bgr_ref, rh_ref, rwt_ref, wgp_ref, x_ref, lg_ref):
    rh = rh_ref[...]
    rwt = rwt_ref[...]
    planes = []
    for half, ref in ((0, src_ref), (1, bgr_ref)):
        for c in range(_C):
            y = _resize_plane(ref[0, c], rh, rwt)
            x_ref[0, half * _C + c] = y
            planes.append(y.astype(jnp.bfloat16).astype(jnp.float32))
    col = []
    for e in range(_E):
        acc = None
        for ci in range(_CIN):
            part = planes[ci] * wgp_ref[e, ci].astype(jnp.float32)
            acc = part if acc is None else acc + part
        col.append(jnp.sum(acc).reshape(1, 1))
    b = pl.program_id(0)
    col8 = jnp.concatenate(col, axis=0)
    lane = lax.broadcasted_iota(jnp.int32, (_E, _B), 1)
    lg_ref[...] = jnp.where(lane == b, col8, lg_ref[...])


def _gating_sc_body(lg_hbm, idx_hbm, g_hbm, lg_v, idx_v, g_v):
    wid = lax.axis_index("s") * 2 + lax.axis_index("c")

    @pl.when(wid == 0)
    def _():
        pltpu.sync_copy(lg_hbm, lg_v)
        rows = [lg_v[e, :] for e in range(_E)]
        m1 = rows[0]
        i1 = jnp.zeros((16,), jnp.int32)
        for e in range(1, _E):
            better = rows[e] > m1
            m1 = jnp.where(better, rows[e], m1)
            i1 = jnp.where(better, jnp.full((16,), e, jnp.int32), i1)
        neg_inf = jnp.full((16,), -jnp.inf, jnp.float32)
        m2 = neg_inf
        i2 = jnp.zeros((16,), jnp.int32)
        for e in range(_E):
            cand = jnp.where(i1 == jnp.full((16,), e, jnp.int32), neg_inf, rows[e])
            better = cand > m2
            m2 = jnp.where(better, cand, m2)
            i2 = jnp.where(better, jnp.full((16,), e, jnp.int32), i2)
        e2 = jnp.exp(m2 - m1)
        denom = 1.0 + e2
        g1 = 1.0 / denom
        g2 = e2 / denom
        idx_v[0, :] = i1
        idx_v[1, :] = i2
        g_v[0, :] = g1
        g_v[1, :] = g2
        pltpu.sync_copy(idx_v, idx_hbm)
        pltpu.sync_copy(g_v, g_hbm)


def _combine_body(idx_ref, idxv_ref, x_ref, w1_ref, w2_ref, gt_ref, o_ref, loss_ref):
    b = pl.program_id(0)

    @pl.when(b == 0)
    def _():
        ioe = lax.broadcasted_iota(jnp.int32, (_E, _B), 0)
        ia = idxv_ref[...]
        ga = gt_ref[...]
        gates = (jnp.where(ioe == ia[0:1, :], ga[0:1, :], 0.0)
                 + jnp.where(ioe == ia[1:2, :], ga[1:2, :], 0.0))
        imp = jnp.sum(gates, axis=1)
        load = jnp.sum((gates > 0.0).astype(jnp.float32), axis=1)

        def cv2(v):
            mean = jnp.mean(v)
            var = jnp.sum((v - mean) ** 2) / (_E - 1)
            return var / (mean * mean + 1e-10)

        loss_ref[...] = ((cv2(imp) + cv2(load)) * 0.01).reshape(1, 1)

    xb = x_ref[0].reshape(_CIN, _HWS)
    eo1 = jnp.dot(w1_ref[0], xb, preferred_element_type=jnp.float32)
    eo2 = jnp.dot(w2_ref[0], xb, preferred_element_type=jnp.float32)
    v1 = jnp.exp(eo1).astype(jnp.bfloat16).astype(jnp.float32)
    v2 = jnp.exp(eo2).astype(jnp.bfloat16).astype(jnp.float32)
    onehot = (lax.broadcasted_iota(jnp.int32, (_K, _B), 1) == b).astype(jnp.float32)
    gb = gt_ref[...].astype(jnp.bfloat16).astype(jnp.float32)
    gsel = jnp.sum(gb * onehot, axis=1, keepdims=True)
    acc = v1 * gsel[0:1, :] + v2 * gsel[1:2, :]
    acc = jnp.where(acc == 0.0, _EPS, acc)
    o_ref[0] = jnp.log(acc).reshape(_COUT, _HS, _WS)


def _resize(src, bgr, w_gate):
    rh = jnp.asarray(_RH, dtype=jnp.bfloat16)
    rwt = jnp.asarray(_RWT, dtype=jnp.bfloat16)
    wgp = jnp.zeros((_E, _CIN, _HS, _WS), jnp.bfloat16) + w_gate[0, 0].astype(jnp.bfloat16)
    return pl.pallas_call(
        _resize_body,
        grid=(_B,),
        in_specs=[
            pl.BlockSpec((1, _C, _H, _W), lambda i: (i, 0, 0, 0)),
            pl.BlockSpec((1, _C, _H, _W), lambda i: (i, 0, 0, 0)),
            pl.BlockSpec((_HS, _H), lambda i: (0, 0)),
            pl.BlockSpec((_W, _WS), lambda i: (0, 0)),
            pl.BlockSpec((_E, _CIN, _HS, _WS), lambda i: (0, 0, 0, 0)),
        ],
        out_specs=(
            pl.BlockSpec((1, _CIN, _HS, _WS), lambda i: (i, 0, 0, 0)),
            pl.BlockSpec((_E, _B), lambda i: (0, 0)),
        ),
        out_shape=(
            jax.ShapeDtypeStruct((_B, _CIN, _HS, _WS), jnp.float32),
            jax.ShapeDtypeStruct((_E, _B), jnp.float32),
        ),
    )(src, bgr, rh, rwt, wgp)


def _gating(lgT):
    mesh = plsc.VectorSubcoreMesh(core_axis_name="c", subcore_axis_name="s")
    run = functools.partial(
        pl.kernel,
        mesh=mesh,
        out_type=(
            jax.ShapeDtypeStruct((_K, _B), jnp.int32),
            jax.ShapeDtypeStruct((_K, _B), jnp.float32),
        ),
        scratch_types=[
            pltpu.VMEM((_E, _B), jnp.float32),
            pltpu.VMEM((_K, _B), jnp.int32),
            pltpu.VMEM((_K, _B), jnp.float32),
        ],
    )(_gating_sc_body)
    return run(lgT)


def _combine(idxT, x, expert_w, gT):
    return pl.pallas_call(
        _combine_body,
        grid_spec=pltpu.PrefetchScalarGridSpec(
            num_scalar_prefetch=1,
            grid=(_B,),
            in_specs=[
                pl.BlockSpec((_K, _B), lambda b, idx_ref: (0, 0)),
                pl.BlockSpec((1, _CIN, _HS, _WS), lambda b, idx_ref: (b, 0, 0, 0)),
                pl.BlockSpec((1, _COUT, _CIN), lambda b, idx_ref: (idx_ref[0, b], 0, 0)),
                pl.BlockSpec((1, _COUT, _CIN), lambda b, idx_ref: (idx_ref[1, b], 0, 0)),
                pl.BlockSpec((_K, _B), lambda b, idx_ref: (0, 0)),
            ],
            out_specs=(
                pl.BlockSpec((1, _COUT, _HS, _WS), lambda b, idx_ref: (b, 0, 0, 0)),
                pl.BlockSpec((1, 1), lambda b, idx_ref: (0, 0)),
            ),
        ),
        out_shape=(
            jax.ShapeDtypeStruct((_B, _COUT, _HS, _WS), jnp.float32),
            jax.ShapeDtypeStruct((1, 1), jnp.float32),
        ),
    )(idxT, idxT, x, expert_w, expert_w, gT)


def kernel(src, bgr, w_gate, expert_w):
    x, lgT = _resize(src, bgr, w_gate)
    idxT, gT = _gating(lgT)
    out, loss = _combine(idxT, x, expert_w, gT)
    return out, loss.reshape(())

# --- scband reference (transcript-rebuilt; emitter-appended) ---
"""Pipeline reference for scband-mo-e-81423989997720 (READ-ONLY COPY).

The authoritative reference and input builder live on the scoring server;
editing this copy changes nothing except your own understanding.
"""

import jax, jax.numpy as jnp
import numpy as np

B, C, H, W = 16, 3, 512, 512
SCALE = 0.25
HS, WS = int(H * SCALE), int(W * SCALE)
CIN = 2 * C
NUM_EXPERTS, K = 8, 2
COUT = 16
INPUT_SIZE = CIN * HS * WS


def cv_squared(v):
    eps = 1e-10
    v = v.astype(jnp.float32)
    return jnp.var(v, ddof=1) / (jnp.mean(v) ** 2 + eps)


def setup_inputs(seed: int = 0) -> dict:
    key = jax.random.key(seed)
    k1, k2, k3, k4 = jax.random.split(key, 4)
    src = jax.random.uniform(k1, (B, C, H, W), dtype=jnp.float32)
    bgr = jax.random.uniform(k2, (B, C, H, W), dtype=jnp.float32)
    w_gate = jax.random.normal(k3, (INPUT_SIZE, NUM_EXPERTS), dtype=jnp.float32) * 0.01
    expert_w = jax.random.normal(k4, (NUM_EXPERTS, COUT, CIN), dtype=jnp.float32) * 0.1
    return {"src": src, "bgr": bgr, "w_gate": w_gate, "expert_w": expert_w}


def reference(src, bgr, w_gate, expert_w):
    # downsample and build gating input (same math as forward)
    src_sm = jax.image.resize(src, (B, C, HS, WS), method='bilinear')
    bgr_sm = jax.image.resize(bgr, (B, C, HS, WS), method='bilinear')
    x = jnp.concatenate([src_sm, bgr_sm], axis=1)
    gx = x.reshape(B, -1)
    # noisy_top_k_gating (eval path: noise disabled, matching train=False)
    clean_logits = gx @ w_gate
    logits = clean_logits
    top_logits, top_indices = jax.lax.top_k(logits, min(K + 1, NUM_EXPERTS))
    top_k_logits = top_logits[:, :K]
    top_k_indices = top_indices[:, :K]
    top_k_gates = jax.nn.softmax(top_k_logits, axis=1)
    gates = jnp.zeros_like(logits).at[jnp.arange(B)[:, None], top_k_indices].set(top_k_gates)
    load = (gates > 0).sum(0).astype(jnp.float32)
    importance = gates.sum(0)
    loss = (cv_squared(importance) + cv_squared(load)) * 0.01
    # dispatch -> per-expert 1x1-conv stand-in for expert backbone -> exp -> gate-weighted combine -> log
    expert_out = jnp.einsum('eoc,bchw->beohw', expert_w, x)
    stitched = jnp.exp(expert_out)
    combined = jnp.einsum('be,beohw->bohw', gates, stitched)
    eps = float(np.finfo(np.float64).eps)
    combined = jnp.where(combined == 0, eps, combined)
    out = jnp.log(combined)
    return out, loss

if __name__ == "__main__":
    import jax
    _d = setup_inputs()
    print(jax.jit(kernel)(*tuple(_d.values())))

</pallas_src>

<mosaic_0001>
#map = affine_map<(d0, d1) -> (0, 0)>
module attributes {stable_mosaic.version = 14 : i64} {
  func.func @_gating_sc_body(%arg0: i32, %arg1: i32, %arg2: memref<8x16xf32, #tpu.memory_space<hbm>>, %arg3: memref<2x16xi32, #tpu.memory_space<hbm>>, %arg4: memref<2x16xf32, #tpu.memory_space<hbm>>, %arg5: memref<8x16xf32, #tpu.memory_space<vmem>>, %arg6: memref<2x16xi32, #tpu.memory_space<vmem>>, %arg7: memref<2x16xf32, #tpu.memory_space<vmem>>) attributes {dimension_semantics = [#tpu.dimension_semantics<core_parallel>, #tpu.dimension_semantics<subcore_parallel>], iteration_bounds = array<i64: 2, 16>, scalar_prefetch = 0 : i64, scratch_operands = 3 : i64, tpu.core_type = #tpu.core_type<sc_vector_subcore>, window_params = [{transform_indices = #map}, {transform_indices = #map}, {transform_indices = #map}]} {
    %mul3A = arith.constant 2 : i32
    %mul3A_0 = arith.muli %arg1, %mul3A : i32
    %add3A = arith.addi %mul3A_0, %arg0 : i32
    %eq3A = arith.constant 0 : i32
    %eq3A_1 = arith.cmpi eq, %add3A, %eq3A : i32
    %convert_element_type3A = arith.extui %eq3A_1 : i1 to i32
    %cond3A = arith.constant 0 : i32
    %cond3A_2 = arith.cmpi ne, %convert_element_type3A, %cond3A : i32
    scf.if %cond3A_2 {
      "tpu.region"() ({
        %run_scoped3A = tpu.sem_alloc : memref<!tpu.dma_semaphore, #tpu.memory_space<semaphore_mem>>
        tpu.enqueue_dma source(%arg2 : memref<8x16xf32, #tpu.memory_space<hbm>>) target(%arg5 : memref<8x16xf32, #tpu.memory_space<vmem>>) target_semaphore(%run_scoped3A : memref<!tpu.dma_semaphore, #tpu.memory_space<semaphore_mem>>)
        tpu.wait_dma2 semaphore(%run_scoped3A : memref<!tpu.dma_semaphore, #tpu.memory_space<semaphore_mem>>) src(%arg2 : memref<8x16xf32, #tpu.memory_space<hbm>>) dst(%arg5 : memref<8x16xf32, #tpu.memory_space<vmem>>)
        tpu.yield
      }) : () -> ()
      %get3A = arith.constant 0 : i32
      %get3A_3 = arith.index_cast %get3A : i32 to index
      %get3A_4 = arith.constant 0 : index
      %get3A_5 = tpu.vector_load %arg5[%get3A_3, %get3A_4] {strides = array<i32>} : memref<8x16xf32, #tpu.memory_space<vmem>>, vector<1x16xf32>,
      %get3A_6 = vector.shape_cast %get3A_5 : vector<1x16xf32> to vector<16xf32>
      %get3A_7 = arith.constant 1 : i32
      %get3A_8 = arith.index_cast %get3A_7 : i32 to index
      %get3A_9 = arith.constant 0 : index
      %get3A_10 = tpu.vector_load %arg5[%get3A_8, %get3A_9] {strides = array<i32>} : memref<8x16xf32, #tpu.memory_space<vmem>>, vector<1x16xf32>,
      %get3A_11 = vector.shape_cast %get3A_10 : vector<1x16xf32> to vector<16xf32>
      %get3A_12 = arith.constant 2 : i32
      %get3A_13 = arith.index_cast %get3A_12 : i32 to index
      %get3A_14 = arith.constant 0 : index
      %get3A_15 = tpu.vector_load %arg5[%get3A_13, %get3A_14] {strides = array<i32>} : memref<8x16xf32, #tpu.memory_space<vmem>>, vector<1x16xf32>,
      %get3A_16 = vector.shape_cast %get3A_15 : vector<1x16xf32> to vector<16xf32>
      %get3A_17 = arith.constant 3 : i32
      %get3A_18 = arith.index_cast %get3A_17 : i32 to index
      %get3A_19 = arith.constant 0 : index
      %get3A_20 = tpu.vector_load %arg5[%get3A_18, %get3A_19] {strides = array<i32>} : memref<8x16xf32, #tpu.memory_space<vmem>>, vector<1x16xf32>,
      %get3A_21 = vector.shape_cast %get3A_20 : vector<1x16xf32> to vector<16xf32>
      %get3A_22 = arith.constant 4 : i32
      %get3A_23 = arith.index_cast %get3A_22 : i32 to index
      %get3A_24 = arith.constant 0 : index
      %get3A_25 = tpu.vector_load %arg5[%get3A_23, %get3A_24] {strides = array<i32>} : memref<8x16xf32, #tpu.memory_space<vmem>>, vector<1x16xf32>,
      %get3A_26 = vector.shape_cast %get3A_25 : vector<1x16xf32> to vector<16xf32>
      %get3A_27 = arith.constant 5 : i32
      %get3A_28 = arith.index_cast %get3A_27 : i32 to index
      %get3A_29 = arith.constant 0 : index
      %get3A_30 = tpu.vector_load %arg5[%get3A_28, %get3A_29] {strides = array<i32>} : memref<8x16xf32, #tpu.memory_space<vmem>>, vector<1x16xf32>,
      %get3A_31 = vector.shape_cast %get3A_30 : vector<1x16xf32> to vector<16xf32>
      %get3A_32 = arith.constant 6 : i32
      %get3A_33 = arith.index_cast %get3A_32 : i32 to index
      %get3A_34 = arith.constant 0 : index
      %get3A_35 = tpu.vector_load %arg5[%get3A_33, %get3A_34] {strides = array<i32>} : memref<8x16xf32, #tpu.memory_space<vmem>>, vector<1x16xf32>,
      %get3A_36 = vector.shape_cast %get3A_35 : vector<1x16xf32> to vector<16xf32>
      %get3A_37 = arith.constant 7 : i32
      %get3A_38 = arith.index_cast %get3A_37 : i32 to index
      %get3A_39 = arith.constant 0 : index
      %get3A_40 = tpu.vector_load %arg5[%get3A_38, %get3A_39] {strides = array<i32>} : memref<8x16xf32, #tpu.memory_space<vmem>>, vector<1x16xf32>,
      %get3A_41 = vector.shape_cast %get3A_40 : vector<1x16xf32> to vector<16xf32>
      %broadcast_in_dim3A = arith.constant 0 : i32
      %broadcast_in_dim3A_42 = vector.broadcast %broadcast_in_dim3A : i32 to vector<16xi32>
      %gt3A = arith.cmpf ogt, %get3A_11, %get3A_6 : vector<16xf32>
      %select_n3A = arith.select %gt3A, %get3A_11, %get3A_6 : vector<16xi1>, vector<16xf32>
      %broadcast_in_dim3A_43 = arith.constant 1 : i32
      %broadcast_in_dim3A_44 = vector.broadcast %broadcast_in_dim3A_43 : i32 to vector<16xi32>
      %select_n3A_45 = arith.select %gt3A, %broadcast_in_dim3A_44, %broadcast_in_dim3A_42 : vector<16xi1>, vector<16xi32>
      %gt3A_46 = arith.cmpf ogt, %get3A_16, %select_n3A : vector<16xf32>
      %select_n3A_47 = arith.select %gt3A_46, %get3A_16, %select_n3A : vector<16xi1>, vector<16xf32>
      %broadcast_in_dim3A_48 = arith.constant 2 : i32
      %broadcast_in_dim3A_49 = vector.broadcast %broadcast_in_dim3A_48 : i32 to vector<16xi32>
      %select_n3A_50 = arith.select %gt3A_46, %broadcast_in_dim3A_49, %select_n3A_45 : vector<16xi1>, vector<16xi32>
      %gt3A_51 = arith.cmpf ogt, %get3A_21, %select_n3A_47 : vector<16xf32>
      %select_n3A_52 = arith.select %gt3A_51, %get3A_21, %select_n3A_47 : vector<16xi1>, vector<16xf32>
      %broadcast_in_dim3A_53 = arith.constant 3 : i32
      %broadcast_in_dim3A_54 = vector.broadcast %broadcast_in_dim3A_53 : i32 to vector<16xi32>
      %select_n3A_55 = arith.select %gt3A_51, %broadcast_in_dim3A_54, %select_n3A_50 : vector<16xi1>, vector<16xi32>
      %gt3A_56 = arith.cmpf ogt, %get3A_26, %select_n3A_52 : vector<16xf32>
      %select_n3A_57 = arith.select %gt3A_56, %get3A_26, %select_n3A_52 : vector<16xi1>, vector<16xf32>
      %broadcast_in_dim3A_58 = arith.constant 4 : i32
      %broadcast_in_dim3A_59 = vector.broadcast %broadcast_in_dim3A_58 : i32 to vector<16xi32>
      %select_n3A_60 = arith.select %gt3A_56, %broadcast_in_dim3A_59, %select_n3A_55 : vector<16xi1>, vector<16xi32>
      %gt3A_61 = arith.cmpf ogt, %get3A_31, %select_n3A_57 : vector<16xf32>
      %select_n3A_62 = arith.select %gt3A_61, %get3A_31, %select_n3A_57 : vector<16xi1>, vector<16xf32>
      %broadcast_in_dim3A_63 = arith.constant 5 : i32
      %broadcast_in_dim3A_64 = vector.broadcast %broadcast_in_dim3A_63 : i32 to vector<16xi32>
      %select_n3A_65 = arith.select %gt3A_61, %broadcast_in_dim3A_64, %select_n3A_60 : vector<16xi1>, vector<16xi32>
      %gt3A_66 = arith.cmpf ogt, %get3A_36, %select_n3A_62 : vector<16xf32>
      %select_n3A_67 = arith.select %gt3A_66, %get3A_36, %select_n3A_62 : vector<16xi1>, vector<16xf32>
      %broadcast_in_dim3A_68 = arith.constant 6 : i32
      %broadcast_in_dim3A_69 = vector.broadcast %broadcast_in_dim3A_68 : i32 to vector<16xi32>
      %select_n3A_70 = arith.select %gt3A_66, %broadcast_in_dim3A_69, %select_n3A_65 : vector<16xi1>, vector<16xi32>
      %gt3A_71 = arith.cmpf ogt, %get3A_41, %select_n3A_67 : vector<16xf32>
      %select_n3A_72 = arith.select %gt3A_71, %get3A_41, %select_n3A_67 : vector<16xi1>, vector<16xf32>
      %broadcast_in_dim3A_73 = arith.constant 7 : i32
      %broadcast_in_dim3A_74 = vector.broadcast %broadcast_in_dim3A_73 : i32 to vector<16xi32>
      %select_n3A_75 = arith.select %gt3A_71, %broadcast_in_dim3A_74, %select_n3A_70 : vector<16xi1>, vector<16xi32>
      %broadcast_in_dim3A_76 = arith.constant 0xFF800000 : f32
      %broadcast_in_dim3A_77 = vector.broadcast %broadcast_in_dim3A_76 : f32 to vector<16xf32>
      %broadcast_in_dim3A_78 = arith.constant 0 : i32
      %broadcast_in_dim3A_79 = vector.broadcast %broadcast_in_dim3A_78 : i32 to vector<16xi32>
      %broadcast_in_dim3A_80 = arith.constant 0 : i32
      %broadcast_in_dim3A_81 = vector.broadcast %broadcast_in_dim3A_80 : i32 to vector<16xi32>
      %eq3A_82 = arith.cmpi eq, %select_n3A_75, %broadcast_in_dim3A_81 : vector<16xi32>
      %select_n3A_83 = arith.select %eq3A_82, %broadcast_in_dim3A_77, %get3A_6 : vector<16xi1>, vector<16xf32>
      %gt3A_84 = arith.cmpf ogt, %select_n3A_83, %broadcast_in_dim3A_77 : vector<16xf32>
      %select_n3A_85 = arith.select %gt3A_84, %select_n3A_83, %broadcast_in_dim3A_77 : vector<16xi1>, vector<16xf32>
      %broadcast_in_dim3A_86 = arith.constant 0 : i32
      %broadcast_in_dim3A_87 = vector.broadcast %broadcast_in_dim3A_86 : i32 to vector<16xi32>
      %select_n3A_88 = arith.select %gt3A_84, %broadcast_in_dim3A_87, %broadcast_in_dim3A_79 : vector<16xi1>, vector<16xi32>
      %broadcast_in_dim3A_89 = arith.constant 1 : i32
      %broadcast_in_dim3A_90 = vector.broadcast %broadcast_in_dim3A_89 : i32 to vector<16xi32>
      %eq3A_91 = arith.cmpi eq, %select_n3A_75, %broadcast_in_dim3A_90 : vector<16xi32>
      %select_n3A_92 = arith.select %eq3A_91, %broadcast_in_dim3A_77, %get3A_11 : vector<16xi1>, vector<16xf32>
      %gt3A_93 = arith.cmpf ogt, %select_n3A_92, %select_n3A_85 : vector<16xf32>
      %select_n3A_94 = arith.select %gt3A_93, %select_n3A_92, %select_n3A_85 : vector<16xi1>, vector<16xf32>
      %broadcast_in_dim3A_95 = arith.constant 1 : i32
      %broadcast_in_dim3A_96 = vector.broadcast %broadcast_in_dim3A_95 : i32 to vector<16xi32>
      %select_n3A_97 = arith.select %gt3A_93, %broadcast_in_dim3A_96, %select_n3A_88 : vector<16xi1>, vector<16xi32>
      %broadcast_in_dim3A_98 = arith.constant 2 : i32
      %broadcast_in_dim3A_99 = vector.broadcast %broadcast_in_dim3A_98 : i32 to vector<16xi32>
      %eq3A_100 = arith.cmpi eq, %select_n3A_75, %broadcast_in_dim3A_99 : vector<16xi32>
      %select_n3A_101 = arith.select %eq3A_100, %broadcast_in_dim3A_77, %get3A_16 : vector<16xi1>, vector<16xf32>
      %gt3A_102 = arith.cmpf ogt, %select_n3A_101, %select_n3A_94 : vector<16xf32>
      %select_n3A_103 = arith.select %gt3A_102, %select_n3A_101, %select_n3A_94 : vector<16xi1>, vector<16xf32>
      %broadcast_in_dim3A_104 = arith.constant 2 : i32
      %broadcast_in_dim3A_105 = vector.broadcast %broadcast_in_dim3A_104 : i32 to vector<16xi32>
      %select_n3A_106 = arith.select %gt3A_102, %broadcast_in_dim3A_105, %select_n3A_97 : vector<16xi1>, vector<16xi32>
      %broadcast_in_dim3A_107 = arith.constant 3 : i32
      %broadcast_in_dim3A_108 = vector.broadcast %broadcast_in_dim3A_107 : i32 to vector<16xi32>
      %eq3A_109 = arith.cmpi eq, %select_n3A_75, %broadcast_in_dim3A_108 : vector<16xi32>
      %select_n3A_110 = arith.select %eq3A_109, %broadcast_in_dim3A_77, %get3A_21 : vector<16xi1>, vector<16xf32>
      %gt3A_111 = arith.cmpf ogt, %select_n3A_110, %select_n3A_103 : vector<16xf32>
      %select_n3A_112 = arith.select %gt3A_111, %select_n3A_110, %select_n3A_103 : vector<16xi1>, vector<16xf32>
      %broadcast_in_dim3A_113 = arith.constant 3 : i32
      %broadcast_in_dim3A_114 = vector.broadcast %broadcast_in_dim3A_113 : i32 to vector<16xi32>
      %select_n3A_115 = arith.select %gt3A_111, %broadcast_in_dim3A_114, %select_n3A_106 : vector<16xi1>, vector<16xi32>
      %broadcast_in_dim3A_116 = arith.constant 4 : i32
      %broadcast_in_dim3A_117 = vector.broadcast %broadcast_in_dim3A_116 : i32 to vector<16xi32>
      %eq3A_118 = arith.cmpi eq, %select_n3A_75, %broadcast_in_dim3A_117 : vector<16xi32>
      %select_n3A_119 = arith.select %eq3A_118, %broadcast_in_dim3A_77, %get3A_26 : vector<16xi1>, vector<16xf32>
      %gt3A_120 = arith.cmpf ogt, %select_n3A_119, %select_n3A_112 : vector<16xf32>
      %select_n3A_121 = arith.select %gt3A_120, %select_n3A_119, %select_n3A_112 : vector<16xi1>, vector<16xf32>
      %broadcast_in_dim3A_122 = arith.constant 4 : i32
      %broadcast_in_dim3A_123 = vector.broadcast %broadcast_in_dim3A_122 : i32 to vector<16xi32>
      %select_n3A_124 = arith.select %gt3A_120, %broadcast_in_dim3A_123, %select_n3A_115 : vector<16xi1>, vector<16xi32>
      %broadcast_in_dim3A_125 = arith.constant 5 : i32
      %broadcast_in_dim3A_126 = vector.broadcast %broadcast_in_dim3A_125 : i32 to vector<16xi32>
      %eq3A_127 = arith.cmpi eq, %select_n3A_75, %broadcast_in_dim3A_126 : vector<16xi32>
      %select_n3A_128 = arith.select %eq3A_127, %broadcast_in_dim3A_77, %get3A_31 : vector<16xi1>, vector<16xf32>
      %gt3A_129 = arith.cmpf ogt, %select_n3A_128, %select_n3A_121 : vector<16xf32>
      %select_n3A_130 = arith.select %gt3A_129, %select_n3A_128, %select_n3A_121 : vector<16xi1>, vector<16xf32>
      %broadcast_in_dim3A_131 = arith.constant 5 : i32
      %broadcast_in_dim3A_132 = vector.broadcast %broadcast_in_dim3A_131 : i32 to vector<16xi32>
      %select_n3A_133 = arith.select %gt3A_129, %broadcast_in_dim3A_132, %select_n3A_124 : vector<16xi1>, vector<16xi32>
      %broadcast_in_dim3A_134 = arith.constant 6 : i32
      %broadcast_in_dim3A_135 = vector.broadcast %broadcast_in_dim3A_134 : i32 to vector<16xi32>
      %eq3A_136 = arith.cmpi eq, %select_n3A_75, %broadcast_in_dim3A_135 : vector<16xi32>
      %select_n3A_137 = arith.select %eq3A_136, %broadcast_in_dim3A_77, %get3A_36 : vector<16xi1>, vector<16xf32>
      %gt3A_138 = arith.cmpf ogt, %select_n3A_137, %select_n3A_130 : vector<16xf32>
      %select_n3A_139 = arith.select %gt3A_138, %select_n3A_137, %select_n3A_130 : vector<16xi1>, vector<16xf32>
      %broadcast_in_dim3A_140 = arith.constant 6 : i32
      %broadcast_in_dim3A_141 = vector.broadcast %broadcast_in_dim3A_140 : i32 to vector<16xi32>
      %select_n3A_142 = arith.select %gt3A_138, %broadcast_in_dim3A_141, %select_n3A_133 : vector<16xi1>, vector<16xi32>
      %broadcast_in_dim3A_143 = arith.constant 7 : i32
      %broadcast_in_dim3A_144 = vector.broadcast %broadcast_in_dim3A_143 : i32 to vector<16xi32>
      %eq3A_145 = arith.cmpi eq, %select_n3A_75, %broadcast_in_dim3A_144 : vector<16xi32>
      %select_n3A_146 = arith.select %eq3A_145, %broadcast_in_dim3A_77, %get3A_41 : vector<16xi1>, vector<16xf32>
      %gt3A_147 = arith.cmpf ogt, %select_n3A_146, %select_n3A_139 : vector<16xf32>
      %select_n3A_148 = arith.select %gt3A_147, %select_n3A_146, %select_n3A_139 : vector<16xi1>, vector<16xf32>
      %broadcast_in_dim3A_149 = arith.constant 7 : i32
      %broadcast_in_dim3A_150 = vector.broadcast %broadcast_in_dim3A_149 : i32 to vector<16xi32>
      %select_n3A_151 = arith.select %gt3A_147, %broadcast_in_dim3A_150, %select_n3A_142 : vector<16xi1>, vector<16xi32>
      %sub3A = arith.subf %select_n3A_148, %select_n3A_72 : vector<16xf32>
      %exp3A = math.exp %sub3A : vector<16xf32>
      %add3A_152 = arith.constant 1.000000e+00 : f32
      %add3A_153 = vector.broadcast %add3A_152 : f32 to vector<16xf32>
      %add3A_154 = arith.addf %add3A_153, %exp3A : vector<16xf32>
      %div3A = arith.constant 1.000000e+00 : f32
      %div3A_155 = vector.broadcast %div3A : f32 to vector<16xf32>
      %div3A_156 = arith.divf %div3A_155, %add3A_154 : vector<16xf32>
      %div3A_157 = arith.divf %exp3A, %add3A_154 : vector<16xf32>
      %swap3A = arith.constant 0 : i32
      %swap3A_158 = arith.index_cast %swap3A : i32 to index
      %swap3A_159 = arith.constant 0 : index
      %swap3A_160 = tpu.vector_load %arg6[%swap3A_158, %swap3A_159] {strides = array<i32>} : memref<2x16xi32, #tpu.memory_space<vmem>>, vector<1x16xi32>,
      %swap3A_161 = vector.shape_cast %swap3A_160 : vector<1x16xi32> to vector<16xi32>
      %swap3A_162 = vector.shape_cast %select_n3A_75 : vector<16xi32> to vector<1x16xi32>
      tpu.vector_store %arg6[%swap3A_158, %swap3A_159], %swap3A_162 {strides = array<i32>} : memref<2x16xi32, #tpu.memory_space<vmem>>, vector<1x16xi32>,
      %swap3A_163 = arith.constant 1 : i32
      %swap3A_164 = arith.index_cast %swap3A_163 : i32 to index
      %swap3A_165 = arith.constant 0 : index
      %swap3A_166 = tpu.vector_load %arg6[%swap3A_164, %swap3A_165] {strides = array<i32>} : memref<2x16xi32, #tpu.memory_space<vmem>>, vector<1x16xi32>,
      %swap3A_167 = vector.shape_cast %swap3A_166 : vector<1x16xi32> to vector<16xi32>
      %swap3A_168 = vector.shape_cast %select_n3A_151 : vector<16xi32> to vector<1x16xi32>
      tpu.vector_store %arg6[%swap3A_164, %swap3A_165], %swap3A_168 {strides = array<i32>} : memref<2x16xi32, #tpu.memory_space<vmem>>, vector<1x16xi32>,
      %swap3A_169 = arith.constant 0 : i32
      %swap3A_170 = arith.index_cast %swap3A_169 : i32 to index
      %swap3A_171 = arith.constant 0 : index
      %swap3A_172 = tpu.vector_load %arg7[%swap3A_170, %swap3A_171] {strides = array<i32>} : memref<2x16xf32, #tpu.memory_space<vmem>>, vector<1x16xf32>,
      %swap3A_173 = vector.shape_cast %swap3A_172 : vector<1x16xf32> to vector<16xf32>
      %swap3A_174 = vector.shape_cast %div3A_156 : vector<16xf32> to vector<1x16xf32>
      tpu.vector_store %arg7[%swap3A_170, %swap3A_171], %swap3A_174 {strides = array<i32>} : memref<2x16xf32, #tpu.memory_space<vmem>>, vector<1x16xf32>,
      %swap3A_175 = arith.constant 1 : i32
      %swap3A_176 = arith.index_cast %swap3A_175 : i32 to index
      %swap3A_177 = arith.constant 0 : index
      %swap3A_178 = tpu.vector_load %arg7[%swap3A_176, %swap3A_177] {strides = array<i32>} : memref<2x16xf32, #tpu.memory_space<vmem>>, vector<1x16xf32>,
      %swap3A_179 = vector.shape_cast %swap3A_178 : vector<1x16xf32> to vector<16xf32>
      %swap3A_180 = vector.shape_cast %div3A_157 : vector<16xf32> to vector<1x16xf32>
      tpu.vector_store %arg7[%swap3A_176, %swap3A_177], %swap3A_180 {strides = array<i32>} : memref<2x16xf32, #tpu.memory_space<vmem>>, vector<1x16xf32>,
      "tpu.region"() ({
        %run_scoped3A = tpu.sem_alloc : memref<!tpu.dma_semaphore, #tpu.memory_space<semaphore_mem>>
        tpu.enqueue_dma source(%arg6 : memref<2x16xi32, #tpu.memory_space<vmem>>) target(%arg3 : memref<2x16xi32, #tpu.memory_space<hbm>>) target_semaphore(%run_scoped3A : memref<!tpu.dma_semaphore, #tpu.memory_space<semaphore_mem>>)
        tpu.wait_dma2 semaphore(%run_scoped3A : memref<!tpu.dma_semaphore, #tpu.memory_space<semaphore_mem>>) src(%arg6 : memref<2x16xi32, #tpu.memory_space<vmem>>) dst(%arg3 : memref<2x16xi32, #tpu.memory_space<hbm>>)
        tpu.yield
      }) : () -> ()
      "tpu.region"() ({
        %run_scoped3A = tpu.sem_alloc : memref<!tpu.dma_semaphore, #tpu.memory_space<semaphore_mem>>
        tpu.enqueue_dma source(%arg7 : memref<2x16xf32, #tpu.memory_space<vmem>>) target(%arg4 : memref<2x16xf32, #tpu.memory_space<hbm>>) target_semaphore(%run_scoped3A : memref<!tpu.dma_semaphore, #tpu.memory_space<semaphore_mem>>)
        tpu.wait_dma2 semaphore(%run_scoped3A : memref<!tpu.dma_semaphore, #tpu.memory_space<semaphore_mem>>) src(%arg7 : memref<2x16xf32, #tpu.memory_space<vmem>>) dst(%arg4 : memref<2x16xf32, #tpu.memory_space<hbm>>)
        tpu.yield
      }) : () -> ()
    } else {
    }
    return
  }
}

module attributes {stable_mosaic.version = 14 : i64} {
  func.func @_resize_body(%arg0: i32, %arg1: memref<1x3x512x512xf32, #tpu.memory_space<vmem>>, %arg2: memref<1x3x512x512xf32, #tpu.memory_space<vmem>>, %arg3: memref<128x512xbf16, #tpu.memory_space<vmem>>, %arg4: memref<512x128xbf16, #tpu.memory_space<vmem>>, %arg5: memref<8x6x128x128xbf16, #tpu.memory_space<vmem>>, %arg6: memref<1x6x128x128xf32, #tpu.memory_space<vmem>>, %arg7: memref<8x16xf32, #tpu.memory_space<vmem>>) attributes {dimension_semantics = [#tpu.dimension_semantics<arbitrary>], iteration_bounds = array<i64: 16>, scalar_prefetch = 0 : i64, scratch_operands = 0 : i64, tpu.core_type = #tpu.core_type<tc>, window_params = [{transform_indices = @transform_0, window_bounds = array<i64: 1, 3, 512, 512>}, {transform_indices = @transform_1, window_bounds = array<i64: 1, 3, 512, 512>}, {pipeline_mode = #tpu.pipeline_mode<synchronous>, transform_indices = @transform_2, window_bounds = array<i64: 128, 512>}, {pipeline_mode = #tpu.pipeline_mode<synchronous>, transform_indices = @transform_3, window_bounds = array<i64: 512, 128>}, {pipeline_mode = #tpu.pipeline_mode<synchronous>, transform_indices = @transform_4, window_bounds = array<i64: 8, 6, 128, 128>}, {transform_indices = @transform_5, window_bounds = array<i64: 1, 6, 128, 128>}, {pipeline_mode = #tpu.pipeline_mode<synchronous>, transform_indices = @transform_6, window_bounds = array<i64: 8, 16>}]} {
    %get3A = arith.constant 0 : index
    %get3A_0 = arith.constant 0 : index
    %get3A_1 = vector.load %arg3[%get3A, %get3A_0] : memref<128x512xbf16, #tpu.memory_space<vmem>>, vector<128x512xbf16>
    %get3A_2 = arith.constant 0 : index
    %get3A_3 = arith.constant 0 : index
    %get3A_4 = vector.load %arg4[%get3A_2, %get3A_3] : memref<512x128xbf16, #tpu.memory_space<vmem>>, vector<512x128xbf16>
    %get3A_5 = arith.constant 0 : index
    %get3A_6 = arith.constant 0 : index
    %get3A_7 = arith.constant 0 : index
    %get3A_8 = arith.constant 0 : index
    %get3A_9 = vector.load %arg1[%get3A_5, %get3A_6, %get3A_7, %get3A_8] : memref<1x3x512x512xf32, #tpu.memory_space<vmem>>, vector<1x1x512x512xf32>
    %get3A_10 = vector.shape_cast %get3A_9 : vector<1x1x512x512xf32> to vector<512x512xf32>
    %convert_element_type3A = arith.truncf %get3A_10 : vector<512x512xf32> to vector<512x512xbf16>
    %convert_element_type3A_11 = arith.extf %convert_element_type3A : vector<512x512xbf16> to vector<512x512xf32>
    %sub3A = arith.subf %get3A_10, %convert_element_type3A_11 : vector<512x512xf32>
    %convert_element_type3A_12 = arith.truncf %sub3A : vector<512x512xf32> to vector<512x512xbf16>
    %convert_element_type3A_13 = arith.extf %convert_element_type3A_12 : vector<512x512xbf16> to vector<512x512xf32>
    %sub3A_14 = arith.subf %sub3A, %convert_element_type3A_13 : vector<512x512xf32>
    %convert_element_type3A_15 = arith.truncf %sub3A_14 : vector<512x512xf32> to vector<512x512xbf16>
    %dot_general3A = arith.constant dense<0.000000e+00> : vector<128x512xf32>
    %dot_general3A_16 = tpu.matmul %get3A_1, %convert_element_type3A, %dot_general3A {dimension_numbers = #tpu.dot_dimension_numbers<[1], [0], [0], [1], [0, 0, 1, 1], [], []>, transpose_lhs_hint = false} : vector<128x512xbf16>, vector<512x512xbf16>, vector<128x512xf32> -> vector<128x512xf32>
    %dot_general3A_17 = arith.constant dense<0.000000e+00> : vector<128x512xf32>
    %dot_general3A_18 = tpu.matmul %get3A_1, %convert_element_type3A_12, %dot_general3A_17 {dimension_numbers = #tpu.dot_dimension_numbers<[1], [0], [0], [1], [0, 0, 1, 1], [], []>, transpose_lhs_hint = false} : vector<128x512xbf16>, vector<512x512xbf16>, vector<128x512xf32> -> vector<128x512xf32>
    %add3A = arith.addf %dot_general3A_16, %dot_general3A_18 : vector<128x512xf32>
    %dot_general3A_19 = arith.constant dense<0.000000e+00> : vector<128x512xf32>
    %dot_general3A_20 = tpu.matmul %get3A_1, %convert_element_type3A_15, %dot_general3A_19 {dimension_numbers = #tpu.dot_dimension_numbers<[1], [0], [0], [1], [0, 0, 1, 1], [], []>, transpose_lhs_hint = false} : vector<128x512xbf16>, vector<512x512xbf16>, vector<128x512xf32> -> vector<128x512xf32>
    %add3A_21 = arith.addf %add3A, %dot_general3A_20 : vector<128x512xf32>
    %slice3A = vector.extract_strided_slice %get3A_10 {offsets = [0, 0], sizes = [1, 512], strides = [1, 1]} : vector<512x512xf32> to vector<1x512xf32>
    %mul3A = arith.constant 0.178571433 : f32
    %mul3A_22 = vector.broadcast %mul3A : f32 to vector<1x512xf32>
    %mul3A_23 = arith.mulf %mul3A_22, %slice3A : vector<1x512xf32>
    %add3A_24 = arith.constant 0.000000e+00 : f32
    %add3A_25 = vector.broadcast %add3A_24 : f32 to vector<1x512xf32>
    %add3A_26 = arith.addf %add3A_25, %mul3A_23 : vector<1x512xf32>
    %slice3A_27 = vector.extract_strided_slice %get3A_10 {offsets = [1, 0], sizes = [1, 512], strides = [1, 1]} : vector<512x512xf32> to vector<1x512xf32>
    %mul3A_28 = arith.constant 2.500000e-01 : f32
    %mul3A_29 = vector.broadcast %mul3A_28 : f32 to vector<1x512xf32>
    %mul3A_30 = arith.mulf %mul3A_29, %slice3A_27 : vector<1x512xf32>
    %add3A_31 = arith.addf %add3A_26, %mul3A_30 : vector<1x512xf32>
    %slice3A_32 = vector.extract_strided_slice %get3A_10 {offsets = [2, 0], sizes = [1, 512], strides = [1, 1]} : vector<512x512xf32> to vector<1x512xf32>
    %mul3A_33 = arith.constant 2.500000e-01 : f32
    %mul3A_34 = vector.broadcast %mul3A_33 : f32 to vector<1x512xf32>
    %mul3A_35 = arith.mulf %mul3A_34, %slice3A_32 : vector<1x512xf32>
    %add3A_36 = arith.addf %add3A_31, %mul3A_35 : vector<1x512xf32>
    %slice3A_37 = vector.extract_strided_slice %get3A_10 {offsets = [3, 0], sizes = [1, 512], strides = [1, 1]} : vector<512x512xf32> to vector<1x512xf32>
    %mul3A_38 = arith.constant 0.178571433 : f32
    %mul3A_39 = vector.broadcast %mul3A_38 : f32 to vector<1x512xf32>
    %mul3A_40 = arith.mulf %mul3A_39, %slice3A_37 : vector<1x512xf32>
    %add3A_41 = arith.addf %add3A_36, %mul3A_40 : vector<1x512xf32>
    %slice3A_42 = vector.extract_strided_slice %get3A_10 {offsets = [4, 0], sizes = [1, 512], strides = [1, 1]} : vector<512x512xf32> to vector<1x512xf32>
    %mul3A_43 = arith.constant 0.107142858 : f32
    %mul3A_44 = vector.broadcast %mul3A_43 : f32 to vector<1x512xf32>
    %mul3A_45 = arith.mulf %mul3A_44, %slice3A_42 : vector<1x512xf32>
    %add3A_46 = arith.addf %add3A_41, %mul3A_45 : vector<1x512xf32>
    %slice3A_47 = vector.extract_strided_slice %get3A_10 {offsets = [5, 0], sizes = [1, 512], strides = [1, 1]} : vector<512x512xf32> to vector<1x512xf32>
    %mul3A_48 = arith.constant 0.0357142873 : f32
    %mul3A_49 = vector.broadcast %mul3A_48 : f32 to vector<1x512xf32>
    %mul3A_50 = arith.mulf %mul3A_49, %slice3A_47 : vector<1x512xf32>
    %add3A_51 = arith.addf %add3A_46, %mul3A_50 : vector<1x512xf32>
    %slice3A_52 = vector.extract_strided_slice %get3A_10 {offsets = [506, 0], sizes = [1, 512], strides = [1, 1]} : vector<512x512xf32> to vector<1x512xf32>
    %mul3A_53 = arith.constant 0.0357142873 : f32
    %mul3A_54 = vector.broadcast %mul3A_53 : f32 to vector<1x512xf32>
    %mul3A_55 = arith.mulf %mul3A_54, %slice3A_52 : vector<1x512xf32>
    %add3A_56 = arith.constant 0.000000e+00 : f32
    %add3A_57 = vector.broadcast %add3A_56 : f32 to vector<1x512xf32>
    %add3A_58 = arith.addf %add3A_57, %mul3A_55 : vector<1x512xf32>
    %slice3A_59 = vector.extract_strided_slice %get3A_10 {offsets = [507, 0], sizes = [1, 512], strides = [1, 1]} : vector<512x512xf32> to vector<1x512xf32>
    %mul3A_60 = arith.constant 0.107142858 : f32
    %mul3A_61 = vector.broadcast %mul3A_60 : f32 to vector<1x512xf32>
    %mul3A_62 = arith.mulf %mul3A_61, %slice3A_59 : vector<1x512xf32>
    %add3A_63 = arith.addf %add3A_58, %mul3A_62 : vector<1x512xf32>
    %slice3A_64 = vector.extract_strided_slice %get3A_10 {offsets = [508, 0], sizes = [1, 512], strides = [1, 1]} : vector<512x512xf32> to vector<1x512xf32>
    %mul3A_65 = arith.constant 0.178571433 : f32
    %mul3A_66 = vector.broadcast %mul3A_65 : f32 to vector<1x512xf32>
    %mul3A_67 = arith.mulf %mul3A_66, %slice3A_64 : vector<1x512xf32>
    %add3A_68 = arith.addf %add3A_63, %mul3A_67 : vector<1x512xf32>
    %slice3A_69 = vector.extract_strided_slice %get3A_10 {offsets = [509, 0], sizes = [1, 512], strides = [1, 1]} : vector<512x512xf32> to vector<1x512xf32>
    %mul3A_70 = arith.constant 2.500000e-01 : f32
    %mul3A_71 = vector.broadcast %mul3A_70 : f32 to vector<1x512xf32>
    %mul3A_72 = arith.mulf %mul3A_71, %slice3A_69 : vector<1x512xf32>
    %add3A_73 = arith.addf %add3A_68, %mul3A_72 : vector<1x512xf32>
    %slice3A_74 = vector.extract_strided_slice %get3A_10 {offsets = [510, 0], sizes = [1, 512], strides = [1, 1]} : vector<512x512xf32> to vector<1x512xf32>
    %mul3A_75 = arith.constant 2.500000e-01 : f32
    %mul3A_76 = vector.broadcast %mul3A_75 : f32 to vector<1x512xf32>
    %mul3A_77 = arith.mulf %mul3A_76, %slice3A_74 : vector<1x512xf32>
    %add3A_78 = arith.addf %add3A_73, %mul3A_77 : vector<1x512xf32>
    %slice3A_79 = vector.extract_strided_slice %get3A_10 {offsets = [511, 0], sizes = [1, 512], strides = [1, 1]} : vector<512x512xf32> to vector<1x512xf32>
    %mul3A_80 = arith.constant 0.178571433 : f32
    %mul3A_81 = vector.broadcast %mul3A_80 : f32 to vector<1x512xf32>
    %mul3A_82 = arith.mulf %mul3A_81, %slice3A_79 : vector<1x512xf32>
    %add3A_83 = arith.addf %add3A_78, %mul3A_82 : vector<1x512xf32>
    %slice3A_84 = vector.extract_strided_slice %add3A_21 {offsets = [1, 0], sizes = [126, 512], strides = [1, 1]} : vector<128x512xf32> to vector<126x512xf32>
    %concatenate3A = tpu.concatenate %add3A_51, %slice3A_84, %add3A_83 in 0 : vector<1x512xf32>, vector<126x512xf32>, vector<1x512xf32> -> vector<128x512xf32>
    %convert_element_type3A_85 = arith.truncf %concatenate3A : vector<128x512xf32> to vector<128x512xbf16>
    %convert_element_type3A_86 = arith.extf %convert_element_type3A_85 : vector<128x512xbf16> to vector<128x512xf32>
    %sub3A_87 = arith.subf %concatenate3A, %convert_element_type3A_86 : vector<128x512xf32>
    %convert_element_type3A_88 = arith.truncf %sub3A_87 : vector<128x512xf32> to vector<128x512xbf16>
    %convert_element_type3A_89 = arith.extf %convert_element_type3A_88 : vector<128x512xbf16> to vector<128x512xf32>
    %sub3A_90 = arith.subf %sub3A_87, %convert_element_type3A_89 : vector<128x512xf32>
    %convert_element_type3A_91 = arith.truncf %sub3A_90 : vector<128x512xf32> to vector<128x512xbf16>
    %dot_general3A_92 = arith.constant dense<0.000000e+00> : vector<128x128xf32>
    %dot_general3A_93 = tpu.matmul %convert_element_type3A_85, %get3A_4, %dot_general3A_92 {dimension_numbers = #tpu.dot_dimension_numbers<[1], [0], [0], [1], [0, 0, 1, 1], [], []>, transpose_lhs_hint = false} : vector<128x512xbf16>, vector<512x128xbf16>, vector<128x128xf32> -> vector<128x128xf32>
    %dot_general3A_94 = arith.constant dense<0.000000e+00> : vector<128x128xf32>
    %dot_general3A_95 = tpu.matmul %convert_element_type3A_88, %get3A_4, %dot_general3A_94 {dimension_numbers = #tpu.dot_dimension_numbers<[1], [0], [0], [1], [0, 0, 1, 1], [], []>, transpose_lhs_hint = false} : vector<128x512xbf16>, vector<512x128xbf16>, vector<128x128xf32> -> vector<128x128xf32>
    %add3A_96 = arith.addf %dot_general3A_93, %dot_general3A_95 : vector<128x128xf32>
    %dot_general3A_97 = arith.constant dense<0.000000e+00> : vector<128x128xf32>
    %dot_general3A_98 = tpu.matmul %convert_element_type3A_91, %get3A_4, %dot_general3A_97 {dimension_numbers = #tpu.dot_dimension_numbers<[1], [0], [0], [1], [0, 0, 1, 1], [], []>, transpose_lhs_hint = false} : vector<128x512xbf16>, vector<512x128xbf16>, vector<128x128xf32> -> vector<128x128xf32>
    %add3A_99 = arith.addf %add3A_96, %dot_general3A_98 : vector<128x128xf32>
    %slice3A_100 = vector.extract_strided_slice %concatenate3A {offsets = [0, 0], sizes = [128, 1], strides = [1, 1]} : vector<128x512xf32> to vector<128x1xf32>
    %mul3A_101 = arith.constant 0.178571433 : f32
    %mul3A_102 = vector.broadcast %mul3A_101 : f32 to vector<128x1xf32>
    %mul3A_103 = arith.mulf %mul3A_102, %slice3A_100 : vector<128x1xf32>
    %add3A_104 = arith.constant 0.000000e+00 : f32
    %add3A_105 = vector.broadcast %add3A_104 : f32 to vector<128x1xf32>
    %add3A_106 = arith.addf %add3A_105, %mul3A_103 : vector<128x1xf32>
    %slice3A_107 = vector.extract_strided_slice %concatenate3A {offsets = [0, 1], sizes = [128, 1], strides = [1, 1]} : vector<128x512xf32> to vector<128x1xf32>
    %mul3A_108 = arith.constant 2.500000e-01 : f32
    %mul3A_109 = vector.broadcast %mul3A_108 : f32 to vector<128x1xf32>
    %mul3A_110 = arith.mulf %mul3A_109, %slice3A_107 : vector<128x1xf32>
    %add3A_111 = arith.addf %add3A_106, %mul3A_110 : vector<128x1xf32>
    %slice3A_112 = vector.extract_strided_slice %concatenate3A {offsets = [0, 2], sizes = [128, 1], strides = [1, 1]} : vector<128x512xf32> to vector<128x1xf32>
    %mul3A_113 = arith.constant 2.500000e-01 : f32
    %mul3A_114 = vector.broadcast %mul3A_113 : f32 to vector<128x1xf32>
    %mul3A_115 = arith.mulf %mul3A_114, %slice3A_112 : vector<128x1xf32>
    %add3A_116 = arith.addf %add3A_111, %mul3A_115 : vector<128x1xf32>
    %slice3A_117 = vector.extract_strided_slice %concatenate3A {offsets = [0, 3], sizes = [128, 1], strides = [1, 1]} : vector<128x512xf32> to vector<128x1xf32>
    %mul3A_118 = arith.constant 0.178571433 : f32
    %mul3A_119 = vector.broadcast %mul3A_118 : f32 to vector<128x1xf32>
    %mul3A_120 = arith.mulf %mul3A_119, %slice3A_117 : vector<128x1xf32>
    %add3A_121 = arith.addf %add3A_116, %mul3A_120 : vector<128x1xf32>
    %slice3A_122 = vector.extract_strided_slice %concatenate3A {offsets = [0, 4], sizes = [128, 1], strides = [1, 1]} : vector<128x512xf32> to vector<128x1xf32>
    %mul3A_123 = arith.constant 0.107142858 : f32
    %mul3A_124 = vector.broadcast %mul3A_123 : f32 to vector<128x1xf32>
    %mul3A_125 = arith.mulf %mul3A_124, %slice3A_122 : vector<128x1xf32>
    %add3A_126 = arith.addf %add3A_121, %mul3A_125 : vector<128x1xf32>
    %slice3A_127 = vector.extract_strided_slice %concatenate3A {offsets = [0, 5], sizes = [128, 1], strides = [1, 1]} : vector<128x512xf32> to vector<128x1xf32>
    %mul3A_128 = arith.constant 0.0357142873 : f32
    %mul3A_129 = vector.broadcast %mul3A_128 : f32 to vector<128x1xf32>
    %mul3A_130 = arith.mulf %mul3A_129, %slice3A_127 : vector<128x1xf32>
    %add3A_131 = arith.addf %add3A_126, %mul3A_130 : vector<128x1xf32>
    %slice3A_132 = vector.extract_strided_slice %concatenate3A {offsets = [0, 506], sizes = [128, 1], strides = [1, 1]} : vector<128x512xf32> to vector<128x1xf32>
    %mul3A_133 = arith.constant 0.0357142873 : f32
    %mul3A_134 = vector.broadcast %mul3A_133 : f32 to vector<128x1xf32>
    %mul3A_135 = arith.mulf %mul3A_134, %slice3A_132 : vector<128x1xf32>
    %add3A_136 = arith.constant 0.000000e+00 : f32
    %add3A_137 = vector.broadcast %add3A_136 : f32 to vector<128x1xf32>
    %add3A_138 = arith.addf %add3A_137, %mul3A_135 : vector<128x1xf32>
    %slice3A_139 = vector.extract_strided_slice %concatenate3A {offsets = [0, 507], sizes = [128, 1], strides = [1, 1]} : vector<128x512xf32> to vector<128x1xf32>
    %mul3A_140 = arith.constant 0.107142858 : f32
    %mul3A_141 = vector.broadcast %mul3A_140 : f32 to vector<128x1xf32>
    %mul3A_142 = arith.mulf %mul3A_141, %slice3A_139 : vector<128x1xf32>
    %add3A_143 = arith.addf %add3A_138, %mul3A_142 : vector<128x1xf32>
    %slice3A_144 = vector.extract_strided_slice %concatenate3A {offsets = [0, 508], sizes = [128, 1], strides = [1, 1]} : vector<128x512xf32> to vector<128x1xf32>
    %mul3A_145 = arith.constant 0.178571433 : f32
    %mul3A_146 = vector.broadcast %mul3A_145 : f32 to vector<128x1xf32>
    %mul3A_147 = arith.mulf %mul3A_146, %slice3A_144 : vector<128x1xf32>
    %add3A_148 = arith.addf %add3A_143, %mul3A_147 : vector<128x1xf32>
    %slice3A_149 = vector.extract_strided_slice %concatenate3A {offsets = [0, 509], sizes = [128, 1], strides = [1, 1]} : vector<128x512xf32> to vector<128x1xf32>
    %mul3A_150 = arith.constant 2.500000e-01 : f32
    %mul3A_151 = vector.broadcast %mul3A_150 : f32 to vector<128x1xf32>
    %mul3A_152 = arith.mulf %mul3A_151, %slice3A_149 : vector<128x1xf32>
    %add3A_153 = arith.addf %add3A_148, %mul3A_152 : vector<128x1xf32>
    %slice3A_154 = vector.extract_strided_slice %concatenate3A {offsets = [0, 510], sizes = [128, 1], strides = [1, 1]} : vector<128x512xf32> to vector<128x1xf32>
    %mul3A_155 = arith.constant 2.500000e-01 : f32
    %mul3A_156 = vector.broadcast %mul3A_155 : f32 to vector<128x1xf32>
    %mul3A_157 = arith.mulf %mul3A_156, %slice3A_154 : vector<128x1xf32>
    %add3A_158 = arith.addf %add3A_153, %mul3A_157 : vector<128x1xf32>
    %slice3A_159 = vector.extract_strided_slice %concatenate3A {offsets = [0, 511], sizes = [128, 1], strides = [1, 1]} : vector<128x512xf32> to vector<128x1xf32>
    %mul3A_160 = arith.constant 0.178571433 : f32
    %mul3A_161 = vector.broadcast %mul3A_160 : f32 to vector<128x1xf32>
    %mul3A_162 = arith.mulf %mul3A_161, %slice3A_159 : vector<128x1xf32>
    %add3A_163 = arith.addf %add3A_158, %mul3A_162 : vector<128x1xf32>
    %slice3A_164 = vector.extract_strided_slice %add3A_99 {offsets = [0, 1], sizes = [128, 126], strides = [1, 1]} : vector<128x128xf32> to vector<128x126xf32>
    %concatenate3A_165 = tpu.concatenate %add3A_131, %slice3A_164, %add3A_163 in 1 : vector<128x1xf32>, vector<128x126xf32>, vector<128x1xf32> -> vector<128x128xf32>
    %swap3A = arith.constant 0 : index
    %swap3A_166 = arith.constant 0 : index
    %swap3A_167 = arith.constant 0 : index
    %swap3A_168 = arith.constant 0 : index
    %swap3A_169 = vector.load %arg6[%swap3A, %swap3A_166, %swap3A_167, %swap3A_168] : memref<1x6x128x128xf32, #tpu.memory_space<vmem>>, vector<1x1x128x128xf32>
    %swap3A_170 = vector.shape_cast %swap3A_169 : vector<1x1x128x128xf32> to vector<128x128xf32>
    %swap3A_171 = vector.shape_cast %concatenate3A_165 : vector<128x128xf32> to vector<1x1x128x128xf32>
    tpu.vector_store %arg6[%swap3A, %swap3A_166, %swap3A_167, %swap3A_168], %swap3A_171 {strides = array<i32>} : memref<1x6x128x128xf32, #tpu.memory_space<vmem>>, vector<1x1x128x128xf32>,
    %convert_element_type3A_172 = arith.truncf %concatenate3A_165 : vector<128x128xf32> to vector<128x128xbf16>
    %convert_element_type3A_173 = arith.extf %convert_element_type3A_172 : vector<128x128xbf16> to vector<128x128xf32>
    %get3A_174 = arith.constant 0 : index
    %get3A_175 = arith.constant 1 : index
    %get3A_176 = arith.constant 0 : index
    %get3A_177 = arith.constant 0 : index
    %get3A_178 = vector.load %arg1[%get3A_174, %get3A_175, %get3A_176, %get3A_177] : memref<1x3x512x512xf32, #tpu.memory_space<vmem>>, vector<1x1x512x512xf32>
    %get3A_179 = vector.shape_cast %get3A_178 : vector<1x1x512x512xf32> to vector<512x512xf32>
    %convert_element_type3A_180 = arith.truncf %get3A_179 : vector<512x512xf32> to vector<512x512xbf16>
    %convert_element_type3A_181 = arith.extf %convert_element_type3A_180 : vector<512x512xbf16> to vector<512x512xf32>
    %sub3A_182 = arith.subf %get3A_179, %convert_element_type3A_181 : vector<512x512xf32>
    %convert_element_type3A_183 = arith.truncf %sub3A_182 : vector<512x512xf32> to vector<512x512xbf16>
    %convert_element_type3A_184 = arith.extf %convert_element_type3A_183 : vector<512x512xbf16> to vector<512x512xf32>
    %sub3A_185 = arith.subf %sub3A_182, %convert_element_type3A_184 : vector<512x512xf32>
    %convert_element_type3A_186 = arith.truncf %sub3A_185 : vector<512x512xf32> to vector<512x512xbf16>
    %dot_general3A_187 = arith.constant dense<0.000000e+00> : vector<128x512xf32>
    %dot_general3A_188 = tpu.matmul %get3A_1, %convert_element_type3A_180, %dot_general3A_187 {dimension_numbers = #tpu.dot_dimension_numbers<[1], [0], [0], [1], [0, 0, 1, 1], [], []>, transpose_lhs_hint = false} : vector<128x512xbf16>, vector<512x512xbf16>, vector<128x512xf32> -> vector<128x512xf32>
    %dot_general3A_189 = arith.constant dense<0.000000e+00> : vector<128x512xf32>
    %dot_general3A_190 = tpu.matmul %get3A_1, %convert_element_type3A_183, %dot_general3A_189 {dimension_numbers = #tpu.dot_dimension_numbers<[1], [0], [0], [1], [0, 0, 1, 1], [], []>, transpose_lhs_hint = false} : vector<128x512xbf16>, vector<512x512xbf16>, vector<128x512xf32> -> vector<128x512xf32>
    %add3A_191 = arith.addf %dot_general3A_188, %dot_general3A_190 : vector<128x512xf32>
    %dot_general3A_192 = arith.constant dense<0.000000e+00> : vector<128x512xf32>
    %dot_general3A_193 = tpu.matmul %get3A_1, %convert_element_type3A_186, %dot_general3A_192 {dimension_numbers = #tpu.dot_dimension_numbers<[1], [0], [0], [1], [0, 0, 1, 1], [], []>, transpose_lhs_hint = false} : vector<128x512xbf16>, vector<512x512xbf16>, vector<128x512xf32> -> vector<128x512xf32>
    %add3A_194 = arith.addf %add3A_191, %dot_general3A_193 : vector<128x512xf32>
    %slice3A_195 = vector.extract_strided_slice %get3A_179 {offsets = [0, 0], sizes = [1, 512], strides = [1, 1]} : vector<512x512xf32> to vector<1x512xf32>
    %mul3A_196 = arith.constant 0.178571433 : f32
    %mul3A_197 = vector.broadcast %mul3A_196 : f32 to vector<1x512xf32>
    %mul3A_198 = arith.mulf %mul3A_197, %slice3A_195 : vector<1x512xf32>
    %add3A_199 = arith.constant 0.000000e+00 : f32
    %add3A_200 = vector.broadcast %add3A_199 : f32 to vector<1x512xf32>
    %add3A_201 = arith.addf %add3A_200, %mul3A_198 : vector<1x512xf32>
    %slice3A_202 = vector.extract_strided_slice %get3A_179 {offsets = [1, 0], sizes = [1, 512], strides = [1, 1]} : vector<512x512xf32> to vector<1x512xf32>
    %mul3A_203 = arith.constant 2.500000e-01 : f32
    %mul3A_204 = vector.broadcast %mul3A_203 : f32 to vector<1x512xf32>
    %mul3A_205 = arith.mulf %mul3A_204, %slice3A_202 : vector<1x512xf32>
    %add3A_206 = arith.addf %add3A_201, %mul3A_205 : vector<1x512xf32>
    %slice3A_207 = vector.extract_strided_slice %get3A_179 {offsets = [2, 0], sizes = [1, 512], strides = [1, 1]} : vector<512x512xf32> to vector<1x512xf32>
    %mul3A_208 = arith.constant 2.500000e-01 : f32
    %mul3A_209 = vector.broadcast %mul3A_208 : f32 to vector<1x512xf32>
    %mul3A_210 = arith.mulf %mul3A_209, %slice3A_207 : vector<1x512xf32>
    %add3A_211 = arith.addf %add3A_206, %mul3A_210 : vector<1x512xf32>
    %slice3A_212 = vector.extract_strided_slice %get3A_179 {offsets = [3, 0], sizes = [1, 512], strides = [1, 1]} : vector<512x512xf32> to vector<1x512xf32>
    %mul3A_213 = arith.constant 0.178571433 : f32
    %mul3A_214 = vector.broadcast %mul3A_213 : f32 to vector<1x512xf32>
    %mul3A_215 = arith.mulf %mul3A_214, %slice3A_212 : vector<1x512xf32>
    %add3A_216 = arith.addf %add3A_211, %mul3A_215 : vector<1x512xf32>
    %slice3A_217 = vector.extract_strided_slice %get3A_179 {offsets = [4, 0], sizes = [1, 512], strides = [1, 1]} : vector<512x512xf32> to vector<1x512xf32>
    %mul3A_218 = arith.constant 0.107142858 : f32
    %mul3A_219 = vector.broadcast %mul3A_218 : f32 to vector<1x512xf32>
    %mul3A_220 = arith.mulf %mul3A_219, %slice3A_217 : vector<1x512xf32>
    %add3A_221 = arith.addf %add3A_216, %mul3A_220 : vector<1x512xf32>
    %slice3A_222 = vector.extract_strided_slice %get3A_179 {offsets = [5, 0], sizes = [1, 512], strides = [1, 1]} : vector<512x512xf32> to vector<1x512xf32>
    %mul3A_223 = arith.constant 0.0357142873 : f32
    %mul3A_224 = vector.broadcast %mul3A_223 : f32 to vector<1x512xf32>
    %mul3A_225 = arith.mulf %mul3A_224, %slice3A_222 : vector<1x512xf32>
    %add3A_226 = arith.addf %add3A_221, %mul3A_225 : vector<1x512xf32>
    %slice3A_227 = vector.extract_strided_slice %get3A_179 {offsets = [506, 0], sizes = [1, 512], strides = [1, 1]} : vector<512x512xf32> to vector<1x512xf32>
    %mul3A_228 = arith.constant 0.0357142873 : f32
    %mul3A_229 = vector.broadcast %mul3A_228 : f32 to vector<1x512xf32>
    %mul3A_230 = arith.mulf %mul3A_229, %slice3A_227 : vector<1x512xf32>
    %add3A_231 = arith.constant 0.000000e+00 : f32
    %add3A_232 = vector.broadcast %add3A_231 : f32 to vector<1x512xf32>
    %add3A_233 = arith.addf %add3A_232, %mul3A_230 : vector<1x512xf32>
    %slice3A_234 = vector.extract_strided_slice %get3A_179 {offsets = [507, 0], sizes = [1, 512], strides = [1, 1]} : vector<512x512xf32> to vector<1x512xf32>
    %mul3A_235 = arith.constant 0.107142858 : f32
    %mul3A_236 = vector.broadcast %mul3A_235 : f32 to vector<1x512xf32>
    %mul3A_237 = arith.mulf %mul3A_236, %slice3A_234 : vector<1x512xf32>
    %add3A_238 = arith.addf %add3A_233, %mul3A_237 : vector<1x512xf32>
    %slice3A_239 = vector.extract_strided_slice %get3A_179 {offsets = [508, 0], sizes = [1, 512], strides = [1, 1]} : vector<512x512xf32> to vector<1x512xf32>
    %mul3A_240 = arith.constant 0.178571433 : f32
    %mul3A_241 = vector.broadcast %mul3A_240 : f32 to vector<1x512xf32>
    %mul3A_242 = arith.mulf %mul3A_241, %slice3A_239 : vector<1x512xf32>
    %add3A_243 = arith.addf %add3A_238, %mul3A_242 : vector<1x512xf32>
    %slice3A_244 = vector.extract_strided_slice %get3A_179 {offsets = [509, 0], sizes = [1, 512], strides = [1, 1]} : vector<512x512xf32> to vector<1x512xf32>
    %mul3A_245 = arith.constant 2.500000e-01 : f32
    %mul3A_246 = vector.broadcast %mul3A_245 : f32 to vector<1x512xf32>
    %mul3A_247 = arith.mulf %mul3A_246, %slice3A_244 : vector<1x512xf32>
    %add3A_248 = arith.addf %add3A_243, %mul3A_247 : vector<1x512xf32>
    %slice3A_249 = vector.extract_strided_slice %get3A_179 {offsets = [510, 0], sizes = [1, 512], strides = [1, 1]} : vector<512x512xf32> to vector<1x512xf32>
    %mul3A_250 = arith.constant 2.500000e-01 : f32
    %mul3A_251 = vector.broadcast %mul3A_250 : f32 to vector<1x512xf32>
    %mul3A_252 = arith.mulf %mul3A_251, %slice3A_249 : vector<1x512xf32>
    %add3A_253 = arith.addf %add3A_248, %mul3A_252 : vector<1x512xf32>
    %slice3A_254 = vector.extract_strided_slice %get3A_179 {offsets = [511, 0], sizes = [1, 512], strides = [1, 1]} : vector<512x512xf32> to vector<1x512xf32>
    %mul3A_255 = arith.constant 0.178571433 : f32
    %mul3A_256 = vector.broadcast %mul3A_255 : f32 to vector<1x512xf32>
    %mul3A_257 = arith.mulf %mul3A_256, %slice3A_254 : vector<1x512xf32>
    %add3A_258 = arith.addf %add3A_253, %mul3A_257 : vector<1x512xf32>
    %slice3A_259 = vector.extract_strided_slice %add3A_194 {offsets = [1, 0], sizes = [126, 512], strides = [1, 1]} : vector<128x512xf32> to vector<126x512xf32>
    %concatenate3A_260 = tpu.concatenate %add3A_226, %slice3A_259, %add3A_258 in 0 : vector<1x512xf32>, vector<126x512xf32>, vector<1x512xf32> -> vector<128x512xf32>
    %convert_element_type3A_261 = arith.truncf %concatenate3A_260 : vector<128x512xf32> to vector<128x512xbf16>
    %convert_element_type3A_262 = arith.extf %convert_element_type3A_261 : vector<128x512xbf16> to vector<128x512xf32>
    %sub3A_263 = arith.subf %concatenate3A_260, %convert_element_type3A_262 : vector<128x512xf32>
    %convert_element_type3A_264 = arith.truncf %sub3A_263 : vector<128x512xf32> to vector<128x512xbf16>
    %convert_element_type3A_265 = arith.extf %convert_element_type3A_264 : vector<128x512xbf16> to vector<128x512xf32>
    %sub3A_266 = arith.subf %sub3A_263, %convert_element_type3A_265 : vector<128x512xf32>
    %convert_element_type3A_267 = arith.truncf %sub3A_266 : vector<128x512xf32> to vector<128x512xbf16>
    %dot_general3A_268 = arith.constant dense<0.000000e+00> : vector<128x128xf32>
    %dot_general3A_269 = tpu.matmul %convert_element_type3A_261, %get3A_4, %dot_general3A_268 {dimension_numbers = #tpu.dot_dimension_numbers<[1], [0], [0], [1], [0, 0, 1, 1], [], []>, transpose_lhs_hint = false} : vector<128x512xbf16>, vector<512x128xbf16>, vector<128x128xf32> -> vector<128x128xf32>
    %dot_general3A_270 = arith.constant dense<0.000000e+00> : vector<128x128xf32>
    %dot_general3A_271 = tpu.matmul %convert_element_type3A_264, %get3A_4, %dot_general3A_270 {dimension_numbers = #tpu.dot_dimension_numbers<[1], [0], [0], [1], [0, 0, 1, 1], [], []>, transpose_lhs_hint = false} : vector<128x512xbf16>, vector<512x128xbf16>, vector<128x128xf32> -> vector<128x128xf32>
    %add3A_272 = arith.addf %dot_general3A_269, %dot_general3A_271 : vector<128x128xf32>
    %dot_general3A_273 = arith.constant dense<0.000000e+00> : vector<128x128xf32>
    %dot_general3A_274 = tpu.matmul %convert_element_type3A_267, %get3A_4, %dot_general3A_273 {dimension_numbers = #tpu.dot_dimension_numbers<[1], [0], [0], [1], [0, 0, 1, 1], [], []>, transpose_lhs_hint = false} : vector<128x512xbf16>, vector<512x128xbf16>, vector<128x128xf32> -> vector<128x128xf32>
    %add3A_275 = arith.addf %add3A_272, %dot_general3A_274 : vector<128x128xf32>
    %slice3A_276 = vector.extract_strided_slice %concatenate3A_260 {offsets = [0, 0], sizes = [128, 1], strides = [1, 1]} : vector<128x512xf32> to vector<128x1xf32>
    %mul3A_277 = arith.constant 0.178571433 : f32
    %mul3A_278 = vector.broadcast %mul3A_277 : f32 to vector<128x1xf32>
    %mul3A_279 = arith.mulf %mul3A_278, %slice3A_276 : vector<128x1xf32>
    %add3A_280 = arith.constant 0.000000e+00 : f32
    %add3A_281 = vector.broadcast %add3A_280 : f32 to vector<128x1xf32>
    %add3A_282 = arith.addf %add3A_281, %mul3A_279 : vector<128x1xf32>
    %slice3A_283 = vector.extract_strided_slice %concatenate3A_260 {offsets = [0, 1], sizes = [128, 1], strides = [1, 1]} : vector<128x512xf32> to vector<128x1xf32>
    %mul3A_284 = arith.constant 2.500000e-01 : f32
    %mul3A_285 = vector.broadcast %mul3A_284 : f32 to vector<128x1xf32>
    %mul3A_286 = arith.mulf %mul3A_285, %slice3A_283 : vector<128x1xf32>
    %add3A_287 = arith.addf %add3A_282, %mul3A_286 : vector<128x1xf32>
    %slice3A_288 = vector.extract_strided_slice %concatenate3A_260 {offsets = [0, 2], sizes = [128, 1], strides = [1, 1]} : vector<128x512xf32> to vector<128x1xf32>
    %mul3A_289 = arith.constant 2.500000e-01 : f32
    %mul3A_290 = vector.broadcast %mul3A_289 : f32 to vector<128x1xf32>
    %mul3A_291 = arith.mulf %mul3A_290, %slice3A_288 : vector<128x1xf32>
    %add3A_292 = arith.addf %add3A_287, %mul3A_291 : vector<128x1xf32>
    %slice3A_293 = vector.extract_strided_slice %concatenate3A_260 {offsets = [0, 3], sizes = [128, 1], strides = [1, 1]} : vector<128x512xf32> to vector<128x1xf32>
    %mul3A_294 = arith.constant 0.178571433 : f32
    %mul3A_295 = vector.broadcast %mul3A_294 : f32 to vector<128x1xf32>
    %mul3A_296 = arith.mulf %mul3A_295, %slice3A_293 : vector<128x1xf32>
    %add3A_297 = arith.addf %add3A_292, %mul3A_296 : vector<128x1xf32>
    %slice3A_298 = vector.extract_strided_slice %concatenate3A_260 {offsets = [0, 4], sizes = [128, 1], strides = [1, 1]} : vector<128x512xf32> to vector<128x1xf32>
    %mul3A_299 = arith.constant 0.107142858 : f32
    %mul3A_300 = vector.broadcast %mul3A_299 : f32 to vector<128x1xf32>
    %mul3A_301 = arith.mulf %mul3A_300, %slice3A_298 : vector<128x1xf32>
    %add3A_302 = arith.addf %add3A_297, %mul3A_301 : vector<128x1xf32>
    %slice3A_303 = vector.extract_strided_slice %concatenate3A_260 {offsets = [0, 5], sizes = [128, 1], strides = [1, 1]} : vector<128x512xf32> to vector<128x1xf32>
    %mul3A_304 = arith.constant 0.0357142873 : f32
    %mul3A_305 = vector.broadcast %mul3A_304 : f32 to vector<128x1xf32>
    %mul3A_306 = arith.mulf %mul3A_305, %slice3A_303 : vector<128x1xf32>
    %add3A_307 = arith.addf %add3A_302, %mul3A_306 : vector<128x1xf32>
    %slice3A_308 = vector.extract_strided_slice %concatenate3A_260 {offsets = [0, 506], sizes = [128, 1], strides = [1, 1]} : vector<128x512xf32> to vector<128x1xf32>
    %mul3A_309 = arith.constant 0.0357142873 : f32
    %mul3A_310 = vector.broadcast %mul3A_309 : f32 to vector<128x1xf32>
    %mul3A_311 = arith.mulf %mul3A_310, %slice3A_308 : vector<128x1xf32>
    %add3A_312 = arith.constant 0.000000e+00 : f32
    %add3A_313 = vector.broadcast %add3A_312 : f32 to vector<128x1xf32>
    %add3A_314 = arith.addf %add3A_313, %mul3A_311 : vector<128x1xf32>
    %slice3A_315 = vector.extract_strided_slice %concatenate3A_260 {offsets = [0, 507], sizes = [128, 1], strides = [1, 1]} : vector<128x512xf32> to vector<128x1xf32>
    %mul3A_316 = arith.constant 0.107142858 : f32
    %mul3A_317 = vector.broadcast %mul3A_316 : f32 to vector<128x1xf32>
    %mul3A_318 = arith.mulf %mul3A_317, %slice3A_315 : vector<128x1xf32>
    %add3A_319 = arith.addf %add3A_314, %mul3A_318 : vector<128x1xf32>
    %slice3A_320 = vector.extract_strided_slice %concatenate3A_260 {offsets = [0, 508], sizes = [128, 1], strides = [1, 1]} : vector<128x512xf32> to vector<128x1xf32>
    %mul3A_321 = arith.constant 0.178571433 : f32
    %mul3A_322 = vector.broadcast %mul3A_321 : f32 to vector<128x1xf32>
    %mul3A_323 = arith.mulf %mul3A_322, %slice3A_320 : vector<128x1xf32>
    %add3A_324 = arith.addf %add3A_319, %mul3A_323 : vector<128x1xf32>
    %slice3A_325 = vector.extract_strided_slice %concatenate3A_260 {offsets = [0, 509], sizes = [128, 1], strides = [1, 1]} : vector<128x512xf32> to vector<128x1xf32>
    %mul3A_326 = arith.constant 2.500000e-01 : f32
    %mul3A_327 = vector.broadcast %mul3A_326 : f32 to vector<128x1xf32>
    %mul3A_328 = arith.mulf %mul3A_327, %slice3A_325 : vector<128x1xf32>
    %add3A_329 = arith.addf %add3A_324, %mul3A_328 : vector<128x1xf32>
    %slice3A_330 = vector.extract_strided_slice %concatenate3A_260 {offsets = [0, 510], sizes = [128, 1], strides = [1, 1]} : vector<128x512xf32> to vector<128x1xf32>
    %mul3A_331 = arith.constant 2.500000e-01 : f32
    %mul3A_332 = vector.broadcast %mul3A_331 : f32 to vector<128x1xf32>
    %mul3A_333 = arith.mulf %mul3A_332, %slice3A_330 : vector<128x1xf32>
    %add3A_334 = arith.addf %add3A_329, %mul3A_333 : vector<128x1xf32>
    %slice3A_335 = vector.extract_strided_slice %concatenate3A_260 {offsets = [0, 511], sizes = [128, 1], strides = [1, 1]} : vector<128x512xf32> to vector<128x1xf32>
    %mul3A_336 = arith.constant 0.178571433 : f32
    %mul3A_337 = vector.broadcast %mul3A_336 : f32 to vector<128x1xf32>
    %mul3A_338 = arith.mulf %mul3A_337, %slice3A_335 : vector<128x1xf32>
    %add3A_339 = arith.addf %add3A_334, %mul3A_338 : vector<128x1xf32>
    %slice3A_340 = vector.extract_strided_slice %add3A_275 {offsets = [0, 1], sizes = [128, 126], strides = [1, 1]} : vector<128x128xf32> to vector<128x126xf32>
    %concatenate3A_341 = tpu.concatenate %add3A_307, %slice3A_340, %add3A_339 in 1 : vector<128x1xf32>, vector<128x126xf32>, vector<128x1xf32> -> vector<128x128xf32>
    %swap3A_342 = arith.constant 0 : index
    %swap3A_343 = arith.constant 1 : index
    %swap3A_344 = arith.constant 0 : index
    %swap3A_345 = arith.constant 0 : index
    %swap3A_346 = vector.load %arg6[%swap3A_342, %swap3A_343, %swap3A_344, %swap3A_345] : memref<1x6x128x128xf32, #tpu.memory_space<vmem>>, vector<1x1x128x128xf32>
    %swap3A_347 = vector.shape_cast %swap3A_346 : vector<1x1x128x128xf32> to vector<128x128xf32>
    %swap3A_348 = vector.shape_cast %concatenate3A_341 : vector<128x128xf32> to vector<1x1x128x128xf32>
    tpu.vector_store %arg6[%swap3A_342, %swap3A_343, %swap3A_344, %swap3A_345], %swap3A_348 {strides = array<i32>} : memref<1x6x128x128xf32, #tpu.memory_space<vmem>>, vector<1x1x128x128xf32>,
    %convert_element_type3A_349 = arith.truncf %concatenate3A_341 : vector<128x128xf32> to vector<128x128xbf16>
    %convert_element_type3A_350 = arith.extf %convert_element_type3A_349 : vector<128x128xbf16> to vector<128x128xf32>
    %get3A_351 = arith.constant 0 : index
    %get3A_352 = arith.constant 2 : index
    %get3A_353 = arith.constant 0 : index
    %get3A_354 = arith.constant 0 : index
    %get3A_355 = vector.load %arg1[%get3A_351, %get3A_352, %get3A_353, %get3A_354] : memref<1x3x512x512xf32, #tpu.memory_space<vmem>>, vector<1x1x512x512xf32>
    %get3A_356 = vector.shape_cast %get3A_355 : vector<1x1x512x512xf32> to vector<512x512xf32>
    %convert_element_type3A_357 = arith.truncf %get3A_356 : vector<512x512xf32> to vector<512x512xbf16>
    %convert_element_type3A_358 = arith.extf %convert_element_type3A_357 : vector<512x512xbf16> to vector<512x512xf32>
    %sub3A_359 = arith.subf %get3A_356, %convert_element_type3A_358 : vector<512x512xf32>
    %convert_element_type3A_360 = arith.truncf %sub3A_359 : vector<512x512xf32> to vector<512x512xbf16>
    %convert_element_type3A_361 = arith.extf %convert_element_type3A_360 : vector<512x512xbf16> to vector<512x512xf32>
    %sub3A_362 = arith.subf %sub3A_359, %convert_element_type3A_361 : vector<512x512xf32>
    %convert_element_type3A_363 = arith.truncf %sub3A_362 : vector<512x512xf32> to vector<512x512xbf16>
    %dot_general3A_364 = arith.constant dense<0.000000e+00> : vector<128x512xf32>
    %dot_general3A_365 = tpu.matmul %get3A_1, %convert_element_type3A_357, %dot_general3A_364 {dimension_numbers = #tpu.dot_dimension_numbers<[1], [0], [0], [1], [0, 0, 1, 1], [], []>, transpose_lhs_hint = false} : vector<128x512xbf16>, vector<512x512xbf16>, vector<128x512xf32> -> vector<128x512xf32>
    %dot_general3A_366 = arith.constant dense<0.000000e+00> : vector<128x512xf32>
    %dot_general3A_367 = tpu.matmul %get3A_1, %convert_element_type3A_360, %dot_general3A_366 {dimension_numbers = #tpu.dot_dimension_numbers<[1], [0], [0], [1], [0, 0, 1, 1], [], []>, transpose_lhs_hint = false} : vector<128x512xbf16>, vector<512x512xbf16>, vector<128x512xf32> -> vector<128x512xf32>
    %add3A_368 = arith.addf %dot_general3A_365, %dot_general3A_367 : vector<128x512xf32>
    %dot_general3A_369 = arith.constant dense<0.000000e+00> : vector<128x512xf32>
    %dot_general3A_370 = tpu.matmul %get3A_1, %convert_element_type3A_363, %dot_general3A_369 {dimension_numbers = #tpu.dot_dimension_numbers<[1], [0], [0], [1], [0, 0, 1, 1], [], []>, transpose_lhs_hint = false} : vector<128x512xbf16>, vector<512x512xbf16>, vector<128x512xf32> -> vector<128x512xf32>
    %add3A_371 = arith.addf %add3A_368, %dot_general3A_370 : vector<128x512xf32>
    %slice3A_372 = vector.extract_strided_slice %get3A_356 {offsets = [0, 0], sizes = [1, 512], strides = [1, 1]} : vector<512x512xf32> to vector<1x512xf32>
    %mul3A_373 = arith.constant 0.178571433 : f32
    %mul3A_374 = vector.broadcast %mul3A_373 : f32 to vector<1x512xf32>
    %mul3A_375 = arith.mulf %mul3A_374, %slice3A_372 : vector<1x512xf32>
    %add3A_376 = arith.constant 0.000000e+00 : f32
    %add3A_377 = vector.broadcast %add3A_376 : f32 to vector<1x512xf32>
    %add3A_378 = arith.addf %add3A_377, %mul3A_375 : vector<1x512xf32>
    %slice3A_379 = vector.extract_strided_slice %get3A_356 {offsets = [1, 0], sizes = [1, 512], strides = [1, 1]} : vector<512x512xf32> to vector<1x512xf32>
    %mul3A_380 = arith.constant 2.500000e-01 : f32
    %mul3A_381 = vector.broadcast %mul3A_380 : f32 to vector<1x512xf32>
    %mul3A_382 = arith.mulf %mul3A_381, %slice3A_379 : vector<1x512xf32>
    %add3A_383 = arith.addf %add3A_378, %mul3A_382 : vector<1x512xf32>
    %slice3A_384 = vector.extract_strided_slice %get3A_356 {offsets = [2, 0], sizes = [1, 512], strides = [1, 1]} : vector<512x512xf32> to vector<1x512xf32>
    %mul3A_385 = arith.constant 2.500000e-01 : f32
    %mul3A_386 = vector.broadcast %mul3A_385 : f32 to vector<1x512xf32>
    %mul3A_387 = arith.mulf %mul3A_386, %slice3A_384 : vector<1x512xf32>
    %add3A_388 = arith.addf %add3A_383, %mul3A_387 : vector<1x512xf32>
    %slice3A_389 = vector.extract_strided_slice %get3A_356 {offsets = [3, 0], sizes = [1, 512], strides = [1, 1]} : vector<512x512xf32> to vector<1x512xf32>
    %mul3A_390 = arith.constant 0.178571433 : f32
    %mul3A_391 = vector.broadcast %mul3A_390 : f32 to vector<1x512xf32>
    %mul3A_392 = arith.mulf %mul3A_391, %slice3A_389 : vector<1x512xf32>
    %add3A_393 = arith.addf %add3A_388, %mul3A_392 : vector<1x512xf32>
    %slice3A_394 = vector.extract_strided_slice %get3A_356 {offsets = [4, 0], sizes = [1, 512], strides = [1, 1]} : vector<512x512xf32> to vector<1x512xf32>
    %mul3A_395 = arith.constant 0.107142858 : f32
    %mul3A_396 = vector.broadcast %mul3A_395 : f32 to vector<1x512xf32>
    %mul3A_397 = arith.mulf %mul3A_396, %slice3A_394 : vector<1x512xf32>
    %add3A_398 = arith.addf %add3A_393, %mul3A_397 : vector<1x512xf32>
    %slice3A_399 = vector.extract_strided_slice %get3A_356 {offsets = [5, 0], sizes = [1, 512], strides = [1, 1]} : vector<512x512xf32> to vector<1x512xf32>
    %mul3A_400 = arith.constant 0.0357142873 : f32
    %mul3A_401 = vector.broadcast %mul3A_400 : f32 to vector<1x512xf32>
    %mul3A_402 = arith.mulf %mul3A_401, %slice3A_399 : vector<1x512xf32>
    %add3A_403 = arith.addf %add3A_398, %mul3A_402 : vector<1x512xf32>
    %slice3A_404 = vector.extract_strided_slice %get3A_356 {offsets = [506, 0], sizes = [1, 512], strides = [1, 1]} : vector<512x512xf32> to vector<1x512xf32>
    %mul3A_405 = arith.constant 0.0357142873 : f32
    %mul3A_406 = vector.broadcast %mul3A_405 : f32 to vector<1x512xf32>
    %mul3A_407 = arith.mulf %mul3A_406, %slice3A_404 : vector<1x512xf32>
    %add3A_408 = arith.constant 0.000000e+00 : f32
    %add3A_409 = vector.broadcast %add3A_408 : f32 to vector<1x512xf32>
    %add3A_410 = arith.addf %add3A_409, %mul3A_407 : vector<1x512xf32>
    %slice3A_411 = vector.extract_strided_slice %get3A_356 {offsets = [507, 0], sizes = [1, 512], strides = [1, 1]} : vector<512x512xf32> to vector<1x512xf32>
    %mul3A_412 = arith.constant 0.107142858 : f32
    %mul3A_413 = vector.broadcast %mul3A_412 : f32 to vector<1x512xf32>
    %mul3A_414 = arith.mulf %mul3A_413, %slice3A_411 : vector<1x512xf32>
    %add3A_415 = arith.addf %add3A_410, %mul3A_414 : vector<1x512xf32>
    %slice3A_416 = vector.extract_strided_slice %get3A_356 {offsets = [508, 0], sizes = [1, 512], strides = [1, 1]} : vector<512x512xf32> to vector<1x512xf32>
    %mul3A_417 = arith.constant 0.178571433 : f32
    %mul3A_418 = vector.broadcast %mul3A_417 : f32 to vector<1x512xf32>
    %mul3A_419 = arith.mulf %mul3A_418, %slice3A_416 : vector<1x512xf32>
    %add3A_420 = arith.addf %add3A_415, %mul3A_419 : vector<1x512xf32>
    %slice3A_421 = vector.extract_strided_slice %get3A_356 {offsets = [509, 0], sizes = [1, 512], strides = [1, 1]} : vector<512x512xf32> to vector<1x512xf32>
    %mul3A_422 = arith.constant 2.500000e-01 : f32
    %mul3A_423 = vector.broadcast %mul3A_422 : f32 to vector<1x512xf32>
    %mul3A_424 = arith.mulf %mul3A_423, %slice3A_421 : vector<1x512xf32>
    %add3A_425 = arith.addf %add3A_420, %mul3A_424 : vector<1x512xf32>
    %slice3A_426 = vector.extract_strided_slice %get3A_356 {offsets = [510, 0], sizes = [1, 512], strides = [1, 1]} : vector<512x512xf32> to vector<1x512xf32>
    %mul3A_427 = arith.constant 2.500000e-01 : f32
    %mul3A_428 = vector.broadcast %mul3A_427 : f32 to vector<1x512xf32>
    %mul3A_429 = arith.mulf %mul3A_428, %slice3A_426 : vector<1x512xf32>
    %add3A_430 = arith.addf %add3A_425, %mul3A_429 : vector<1x512xf32>
    %slice3A_431 = vector.extract_strided_slice %get3A_356 {offsets = [511, 0], sizes = [1, 512], strides = [1, 1]} : vector<512x512xf32> to vector<1x512xf32>
    %mul3A_432 = arith.constant 0.178571433 : f32
    %mul3A_433 = vector.broadcast %mul3A_432 : f32 to vector<1x512xf32>
    %mul3A_434 = arith.mulf %mul3A_433, %slice3A_431 : vector<1x512xf32>
    %add3A_435 = arith.addf %add3A_430, %mul3A_434 : vector<1x512xf32>
    %slice3A_436 = vector.extract_strided_slice %add3A_371 {offsets = [1, 0], sizes = [126, 512], strides = [1, 1]} : vector<128x512xf32> to vector<126x512xf32>
    %concatenate3A_437 = tpu.concatenate %add3A_403, %slice3A_436, %add3A_435 in 0 : vector<1x512xf32>, vector<126x512xf32>, vector<1x512xf32> -> vector<128x512xf32>
    %convert_element_type3A_438 = arith.truncf %concatenate3A_437 : vector<128x512xf32> to vector<128x512xbf16>
    %convert_element_type3A_439 = arith.extf %convert_element_type3A_438 : vector<128x512xbf16> to vector<128x512xf32>
    %sub3A_440 = arith.subf %concatenate3A_437, %convert_element_type3A_439 : vector<128x512xf32>
    %convert_element_type3A_441 = arith.truncf %sub3A_440 : vector<128x512xf32> to vector<128x512xbf16>
    %convert_element_type3A_442 = arith.extf %convert_element_type3A_441 : vector<128x512xbf16> to vector<128x512xf32>
    %sub3A_443 = arith.subf %sub3A_440, %convert_element_type3A_442 : vector<128x512xf32>
    %convert_element_type3A_444 = arith.truncf %sub3A_443 : vector<128x512xf32> to vector<128x512xbf16>
    %dot_general3A_445 = arith.constant dense<0.000000e+00> : vector<128x128xf32>
    %dot_general3A_446 = tpu.matmul %convert_element_type3A_438, %get3A_4, %dot_general3A_445 {dimension_numbers = #tpu.dot_dimension_numbers<[1], [0], [0], [1], [0, 0, 1, 1], [], []>, transpose_lhs_hint = false} : vector<128x512xbf16>, vector<512x128xbf16>, vector<128x128xf32> -> vector<128x128xf32>
    %dot_general3A_447 = arith.constant dense<0.000000e+00> : vector<128x128xf32>
    %dot_general3A_448 = tpu.matmul %convert_element_type3A_441, %get3A_4, %dot_general3A_447 {dimension_numbers = #tpu.dot_dimension_numbers<[1], [0], [0], [1], [0, 0, 1, 1], [], []>, transpose_lhs_hint = false} : vector<128x512xbf16>, vector<512x128xbf16>, vector<128x128xf32> -> vector<128x128xf32>
    %add3A_449 = arith.addf %dot_general3A_446, %dot_general3A_448 : vector<128x128xf32>
    %dot_general3A_450 = arith.constant dense<0.000000e+00> : vector<128x128xf32>
    %dot_general3A_451 = tpu.matmul %convert_element_type3A_444, %get3A_4, %dot_general3A_450 {dimension_numbers = #tpu.dot_dimension_numbers<[1], [0], [0], [1], [0, 0, 1, 1], [], []>, transpose_lhs_hint = false} : vector<128x512xbf16>, vector<512x128xbf16>, vector<128x128xf32> -> vector<128x128xf32>
    %add3A_452 = arith.addf %add3A_449, %dot_general3A_451 : vector<128x128xf32>
    %slice3A_453 = vector.extract_strided_slice %concatenate3A_437 {offsets = [0, 0], sizes = [128, 1], strides = [1, 1]} : vector<128x512xf32> to vector<128x1xf32>
    %mul3A_454 = arith.constant 0.178571433 : f32
    %mul3A_455 = vector.broadcast %mul3A_454 : f32 to vector<128x1xf32>
    %mul3A_456 = arith.mulf %mul3A_455, %slice3A_453 : vector<128x1xf32>
    %add3A_457 = arith.constant 0.000000e+00 : f32
    %add3A_458 = vector.broadcast %add3A_457 : f32 to vector<128x1xf32>
    %add3A_459 = arith.addf %add3A_458, %mul3A_456 : vector<128x1xf32>
    %slice3A_460 = vector.extract_strided_slice %concatenate3A_437 {offsets = [0, 1], sizes = [128, 1], strides = [1, 1]} : vector<128x512xf32> to vector<128x1xf32>
    %mul3A_461 = arith.constant 2.500000e-01 : f32
    %mul3A_462 = vector.broadcast %mul3A_461 : f32 to vector<128x1xf32>
    %mul3A_463 = arith.mulf %mul3A_462, %slice3A_460 : vector<128x1xf32>
    %add3A_464 = arith.addf %add3A_459, %mul3A_463 : vector<128x1xf32>
    %slice3A_465 = vector.extract_strided_slice %concatenate3A_437 {offsets = [0, 2], sizes = [128, 1], strides = [1, 1]} : vector<128x512xf32> to vector<128x1xf32>
    %mul3A_466 = arith.constant 2.500000e-01 : f32
    %mul3A_467 = vector.broadcast %mul3A_466 : f32 to vector<128x1xf32>
    %mul3A_468 = arith.mulf %mul3A_467, %slice3A_465 : vector<128x1xf32>
    %add3A_469 = arith.addf %add3A_464, %mul3A_468 : vector<128x1xf32>
    %slice3A_470 = vector.extract_strided_slice %concatenate3A_437 {offsets = [0, 3], sizes = [128, 1], strides = [1, 1]} : vector<128x512xf32> to vector<128x1xf32>
    %mul3A_471 = arith.constant 0.178571433 : f32
    %mul3A_472 = vector.broadcast %mul3A_471 : f32 to vector<128x1xf32>
    %mul3A_473 = arith.mulf %mul3A_472, %slice3A_470 : vector<128x1xf32>
    %add3A_474 = arith.addf %add3A_469, %mul3A_473 : vector<128x1xf32>
    %slice3A_475 = vector.extract_strided_slice %concatenate3A_437 {offsets = [0, 4], sizes = [128, 1], strides = [1, 1]} : vector<128x512xf32> to vector<128x1xf32>
    %mul3A_476 = arith.constant 0.107142858 : f32
    %mul3A_477 = vector.broadcast %mul3A_476 : f32 to vector<128x1xf32>
    %mul3A_478 = arith.mulf %mul3A_477, %slice3A_475 : vector<128x1xf32>
    %add3A_479 = arith.addf %add3A_474, %mul3A_478 : vector<128x1xf32>
    %slice3A_480 = vector.extract_strided_slice %concatenate3A_437 {offsets = [0, 5], sizes = [128, 1], strides = [1, 1]} : vector<128x512xf32> to vector<128x1xf32>
    %mul3A_481 = arith.constant 0.0357142873 : f32
    %mul3A_482 = vector.broadcast %mul3A_481 : f32 to vector<128x1xf32>
    %mul3A_483 = arith.mulf %mul3A_482, %slice3A_480 : vector<128x1xf32>
    %add3A_484 = arith.addf %add3A_479, %mul3A_483 : vector<128x1xf32>
    %slice3A_485 = vector.extract_strided_slice %concatenate3A_437 {offsets = [0, 506], sizes = [128, 1], strides = [1, 1]} : vector<128x512xf32> to vector<128x1xf32>
    %mul3A_486 = arith.constant 0.0357142873 : f32
    %mul3A_487 = vector.broadcast %mul3A_486 : f32 to vector<128x1xf32>
    %mul3A_488 = arith.mulf %mul3A_487, %slice3A_485 : vector<128x1xf32>
    %add3A_489 = arith.constant 0.000000e+00 : f32
    %add3A_490 = vector.broadcast %add3A_489 : f32 to vector<128x1xf32>
    %add3A_491 = arith.addf %add3A_490, %mul3A_488 : vector<128x1xf32>
    %slice3A_492 = vector.extract_strided_slice %concatenate3A_437 {offsets = [0, 507], sizes = [128, 1], strides = [1, 1]} : vector<128x512xf32> to vector<128x1xf32>
    %mul3A_493 = arith.constant 0.107142858 : f32
    %mul3A_494 = vector.broadcast %mul3A_493 : f32 to vector<128x1xf32>
    %mul3A_495 = arith.mulf %mul3A_494, %slice3A_492 : vector<128x1xf32>
    %add3A_496 = arith.addf %add3A_491, %mul3A_495 : vector<128x1xf32>
    %slice3A_497 = vector.extract_strided_slice %concatenate3A_437 {offsets = [0, 508], sizes = [128, 1], strides = [1, 1]} : vector<128x512xf32> to vector<128x1xf32>
    %mul3A_498 = arith.constant 0.178571433 : f32
    %mul3A_499 = vector.broadcast %mul3A_498 : f32 to vector<128x1xf32>
    %mul3A_500 = arith.mulf %mul3A_499, %slice3A_497 : vector<128x1xf32>
    %add3A_501 = arith.addf %add3A_496, %mul3A_500 : vector<128x1xf32>
    %slice3A_502 = vector.extract_strided_slice %concatenate3A_437 {offsets = [0, 509], sizes = [128, 1], strides = [1, 1]} : vector<128x512xf32> to vector<128x1xf32>
    %mul3A_503 = arith.constant 2.500000e-01 : f32
    %mul3A_504 = vector.broadcast %mul3A_503 : f32 to vector<128x1xf32>
    %mul3A_505 = arith.mulf %mul3A_504, %slice3A_502 : vector<128x1xf32>
    %add3A_506 = arith.addf %add3A_501, %mul3A_505 : vector<128x1xf32>
    %slice3A_507 = vector.extract_strided_slice %concatenate3A_437 {offsets = [0, 510], sizes = [128, 1], strides = [1, 1]} : vector<128x512xf32> to vector<128x1xf32>
    %mul3A_508 = arith.constant 2.500000e-01 : f32
    %mul3A_509 = vector.broadcast %mul3A_508 : f32 to vector<128x1xf32>
    %mul3A_510 = arith.mulf %mul3A_509, %slice3A_507 : vector<128x1xf32>
    %add3A_511 = arith.addf %add3A_506, %mul3A_510 : vector<128x1xf32>
    %slice3A_512 = vector.extract_strided_slice %concatenate3A_437 {offsets = [0, 511], sizes = [128, 1], strides = [1, 1]} : vector<128x512xf32> to vector<128x1xf32>
    %mul3A_513 = arith.constant 0.178571433 : f32
    %mul3A_514 = vector.broadcast %mul3A_513 : f32 to vector<128x1xf32>
    %mul3A_515 = arith.mulf %mul3A_514, %slice3A_512 : vector<128x1xf32>
    %add3A_516 = arith.addf %add3A_511, %mul3A_515 : vector<128x1xf32>
    %slice3A_517 = vector.extract_strided_slice %add3A_452 {offsets = [0, 1], sizes = [128, 126], strides = [1, 1]} : vector<128x128xf32> to vector<128x126xf32>
    %concatenate3A_518 = tpu.concatenate %add3A_484, %slice3A_517, %add3A_516 in 1 : vector<128x1xf32>, vector<128x126xf32>, vector<128x1xf32> -> vector<128x128xf32>
    %swap3A_519 = arith.constant 0 : index
    %swap3A_520 = arith.constant 2 : index
    %swap3A_521 = arith.constant 0 : index
    %swap3A_522 = arith.constant 0 : index
    %swap3A_523 = vector.load %arg6[%swap3A_519, %swap3A_520, %swap3A_521, %swap3A_522] : memref<1x6x128x128xf32, #tpu.memory_space<vmem>>, vector<1x1x128x128xf32>
    %swap3A_524 = vector.shape_cast %swap3A_523 : vector<1x1x128x128xf32> to vector<128x128xf32>
    %swap3A_525 = vector.shape_cast %concatenate3A_518 : vector<128x128xf32> to vector<1x1x128x128xf32>
    tpu.vector_store %arg6[%swap3A_519, %swap3A_520, %swap3A_521, %swap3A_522], %swap3A_525 {strides = array<i32>} : memref<1x6x128x128xf32, #tpu.memory_space<vmem>>, vector<1x1x128x128xf32>,
    %convert_element_type3A_526 = arith.truncf %concatenate3A_518 : vector<128x128xf32> to vector<128x128xbf16>
    %convert_element_type3A_527 = arith.extf %convert_element_type3A_526 : vector<128x128xbf16> to vector<128x128xf32>
    %get3A_528 = arith.constant 0 : index
    %get3A_529 = arith.constant 0 : index
    %get3A_530 = arith.constant 0 : index
    %get3A_531 = arith.constant 0 : index
    %get3A_532 = vector.load %arg2[%get3A_528, %get3A_529, %get3A_530, %get3A_531] : memref<1x3x512x512xf32, #tpu.memory_space<vmem>>, vector<1x1x512x512xf32>
    %get3A_533 = vector.shape_cast %get3A_532 : vector<1x1x512x512xf32> to vector<512x512xf32>
    %convert_element_type3A_534 = arith.truncf %get3A_533 : vector<512x512xf32> to vector<512x512xbf16>
    %convert_element_type3A_535 = arith.extf %convert_element_type3A_534 : vector<512x512xbf16> to vector<512x512xf32>
    %sub3A_536 = arith.subf %get3A_533, %convert_element_type3A_535 : vector<512x512xf32>
    %convert_element_type3A_537 = arith.truncf %sub3A_536 : vector<512x512xf32> to vector<512x512xbf16>
    %convert_element_type3A_538 = arith.extf %convert_element_type3A_537 : vector<512x512xbf16> to vector<512x512xf32>
    %sub3A_539 = arith.subf %sub3A_536, %convert_element_type3A_538 : vector<512x512xf32>
    %convert_element_type3A_540 = arith.truncf %sub3A_539 : vector<512x512xf32> to vector<512x512xbf16>
    %dot_general3A_541 = arith.constant dense<0.000000e+00> : vector<128x512xf32>
    %dot_general3A_542 = tpu.matmul %get3A_1, %convert_element_type3A_534, %dot_general3A_541 {dimension_numbers = #tpu.dot_dimension_numbers<[1], [0], [0], [1], [0, 0, 1, 1], [], []>, transpose_lhs_hint = false} : vector<128x512xbf16>, vector<512x512xbf16>, vector<128x512xf32> -> vector<128x512xf32>
    %dot_general3A_543 = arith.constant dense<0.000000e+00> : vector<128x512xf32>
    %dot_general3A_544 = tpu.matmul %get3A_1, %convert_element_type3A_537, %dot_general3A_543 {dimension_numbers = #tpu.dot_dimension_numbers<[1], [0], [0], [1], [0, 0, 1, 1], [], []>, transpose_lhs_hint = false} : vector<128x512xbf16>, vector<512x512xbf16>, vector<128x512xf32> -> vector<128x512xf32>
    %add3A_545 = arith.addf %dot_general3A_542, %dot_general3A_544 : vector<128x512xf32>
    %dot_general3A_546 = arith.constant dense<0.000000e+00> : vector<128x512xf32>
    %dot_general3A_547 = tpu.matmul %get3A_1, %convert_element_type3A_540, %dot_general3A_546 {dimension_numbers = #tpu.dot_dimension_numbers<[1], [0], [0], [1], [0, 0, 1, 1], [], []>, transpose_lhs_hint = false} : vector<128x512xbf16>, vector<512x512xbf16>, vector<128x512xf32> -> vector<128x512xf32>
    %add3A_548 = arith.addf %add3A_545, %dot_general3A_547 : vector<128x512xf32>
    %slice3A_549 = vector.extract_strided_slice %get3A_533 {offsets = [0, 0], sizes = [1, 512], strides = [1, 1]} : vector<512x512xf32> to vector<1x512xf32>
    %mul3A_550 = arith.constant 0.178571433 : f32
    %mul3A_551 = vector.broadcast %mul3A_550 : f32 to vector<1x512xf32>
    %mul3A_552 = arith.mulf %mul3A_551, %slice3A_549 : vector<1x512xf32>
    %add3A_553 = arith.constant 0.000000e+00 : f32
    %add3A_554 = vector.broadcast %add3A_553 : f32 to vector<1x512xf32>
    %add3A_555 = arith.addf %add3A_554, %mul3A_552 : vector<1x512xf32>
    %slice3A_556 = vector.extract_strided_slice %get3A_533 {offsets = [1, 0], sizes = [1, 512], strides = [1, 1]} : vector<512x512xf32> to vector<1x512xf32>
    %mul3A_557 = arith.constant 2.500000e-01 : f32
    %mul3A_558 = vector.broadcast %mul3A_557 : f32 to vector<1x512xf32>
    %mul3A_559 = arith.mulf %mul3A_558, %slice3A_556 : vector<1x512xf32>
    %add3A_560 = arith.addf %add3A_555, %mul3A_559 : vector<1x512xf32>
    %slice3A_561 = vector.extract_strided_slice %get3A_533 {offsets = [2, 0], sizes = [1, 512], strides = [1, 1]} : vector<512x512xf32> to vector<1x512xf32>
    %mul3A_562 = arith.constant 2.500000e-01 : f32
    %mul3A_563 = vector.broadcast %mul3A_562 : f32 to vector<1x512xf32>
    %mul3A_564 = arith.mulf %mul3A_563, %slice3A_561 : vector<1x512xf32>
    %add3A_565 = arith.addf %add3A_560, %mul3A_564 : vector<1x512xf32>
    %slice3A_566 = vector.extract_strided_slice %get3A_533 {offsets = [3, 0], sizes = [1, 512], strides = [1, 1]} : vector<512x512xf32> to vector<1x512xf32>
    %mul3A_567 = arith.constant 0.178571433 : f32
    %mul3A_568 = vector.broadcast %mul3A_567 : f32 to vector<1x512xf32>
    %mul3A_569 = arith.mulf %mul3A_568, %slice3A_566 : vector<1x512xf32>
    %add3A_570 = arith.addf %add3A_565, %mul3A_569 : vector<1x512xf32>
    %slice3A_571 = vector.extract_strided_slice %get3A_533 {offsets = [4, 0], sizes = [1, 512], strides = [1, 1]} : vector<512x512xf32> to vector<1x512xf32>
    %mul3A_572 = arith.constant 0.107142858 : f32
    %mul3A_573 = vector.broadcast %mul3A_572 : f32 to vector<1x512xf32>
    %mul3A_574 = arith.mulf %mul3A_573, %slice3A_571 : vector<1x512xf32>
    %add3A_575 = arith.addf %add3A_570, %mul3A_574 : vector<1x512xf32>
    %slice3A_576 = vector.extract_strided_slice %get3A_533 {offsets = [5, 0], sizes = [1, 512], strides = [1, 1]} : vector<512x512xf32> to vector<1x512xf32>
    %mul3A_577 = arith.constant 0.0357142873 : f32
    %mul3A_578 = vector.broadcast %mul3A_577 : f32 to vector<1x512xf32>
    %mul3A_579 = arith.mulf %mul3A_578, %slice3A_576 : vector<1x512xf32>
    %add3A_580 = arith.addf %add3A_575, %mul3A_579 : vector<1x512xf32>
    %slice3A_581 = vector.extract_strided_slice %get3A_533 {offsets = [506, 0], sizes = [1, 512], strides = [1, 1]} : vector<512x512xf32> to vector<1x512xf32>
    %mul3A_582 = arith.constant 0.0357142873 : f32
    %mul3A_583 = vector.broadcast %mul3A_582 : f32 to vector<1x512xf32>
    %mul3A_584 = arith.mulf %mul3A_583, %slice3A_581 : vector<1x512xf32>
    %add3A_585 = arith.constant 0.000000e+00 : f32
    %add3A_586 = vector.broadcast %add3A_585 : f32 to vector<1x512xf32>
    %add3A_587 = arith.addf %add3A_586, %mul3A_584 : vector<1x512xf32>
    %slice3A_588 = vector.extract_strided_slice %get3A_533 {offsets = [507, 0], sizes = [1, 512], strides = [1, 1]} : vector<512x512xf32> to vector<1x512xf32>
    %mul3A_589 = arith.constant 0.107142858 : f32
    %mul3A_590 = vector.broadcast %mul3A_589 : f32 to vector<1x512xf32>
    %mul3A_591 = arith.mulf %mul3A_590, %slice3A_588 : vector<1x512xf32>
    %add3A_592 = arith.addf %add3A_587, %mul3A_591 : vector<1x512xf32>
    %slice3A_593 = vector.extract_strided_slice %get3A_533 {offsets = [508, 0], sizes = [1, 512], strides = [1, 1]} : vector<512x512xf32> to vector<1x512xf32>
    %mul3A_594 = arith.constant 0.178571433 : f32
    %mul3A_595 = vector.broadcast %mul3A_594 : f32 to vector<1x512xf32>
    %mul3A_596 = arith.mulf %mul3A_595, %slice3A_593 : vector<1x512xf32>
    %add3A_597 = arith.addf %add3A_592, %mul3A_596 : vector<1x512xf32>
    %slice3A_598 = vector.extract_strided_slice %get3A_533 {offsets = [509, 0], sizes = [1, 512], strides = [1, 1]} : vector<512x512xf32> to vector<1x512xf32>
    %mul3A_599 = arith.constant 2.500000e-01 : f32
    %mul3A_600 = vector.broadcast %mul3A_599 : f32 to vector<1x512xf32>
    %mul3A_601 = arith.mulf %mul3A_600, %slice3A_598 : vector<1x512xf32>
    %add3A_602 = arith.addf %add3A_597, %mul3A_601 : vector<1x512xf32>
    %slice3A_603 = vector.extract_strided_slice %get3A_533 {offsets = [510, 0], sizes = [1, 512], strides = [1, 1]} : vector<512x512xf32> to vector<1x512xf32>
    %mul3A_604 = arith.constant 2.500000e-01 : f32
    %mul3A_605 = vector.broadcast %mul3A_604 : f32 to vector<1x512xf32>
    %mul3A_606 = arith.mulf %mul3A_605, %slice3A_603 : vector<1x512xf32>
    %add3A_607 = arith.addf %add3A_602, %mul3A_606 : vector<1x512xf32>
    %slice3A_608 = vector.extract_strided_slice %get3A_533 {offsets = [511, 0], sizes = [1, 512], strides = [1, 1]} : vector<512x512xf32> to vector<1x512xf32>
    %mul3A_609 = arith.constant 0.178571433 : f32
    %mul3A_610 = vector.broadcast %mul3A_609 : f32 to vector<1x512xf32>
    %mul3A_611 = arith.mulf %mul3A_610, %slice3A_608 : vector<1x512xf32>
    %add3A_612 = arith.addf %add3A_607, %mul3A_611 : vector<1x512xf32>
    %slice3A_613 = vector.extract_strided_slice %add3A_548 {offsets = [1, 0], sizes = [126, 512], strides = [1, 1]} : vector<128x512xf32> to vector<126x512xf32>
    %concatenate3A_614 = tpu.concatenate %add3A_580, %slice3A_613, %add3A_612 in 0 : vector<1x512xf32>, vector<126x512xf32>, vector<1x512xf32> -> vector<128x512xf32>
    %convert_element_type3A_615 = arith.truncf %concatenate3A_614 : vector<128x512xf32> to vector<128x512xbf16>
    %convert_element_type3A_616 = arith.extf %convert_element_type3A_615 : vector<128x512xbf16> to vector<128x512xf32>
    %sub3A_617 = arith.subf %concatenate3A_614, %convert_element_type3A_616 : vector<128x512xf32>
    %convert_element_type3A_618 = arith.truncf %sub3A_617 : vector<128x512xf32> to vector<128x512xbf16>
    %convert_element_type3A_619 = arith.extf %convert_element_type3A_618 : vector<128x512xbf16> to vector<128x512xf32>
    %sub3A_620 = arith.subf %sub3A_617, %convert_element_type3A_619 : vector<128x512xf32>
    %convert_element_type3A_621 = arith.truncf %sub3A_620 : vector<128x512xf32> to vector<128x512xbf16>
    %dot_general3A_622 = arith.constant dense<0.000000e+00> : vector<128x128xf32>
    %dot_general3A_623 = tpu.matmul %convert_element_type3A_615, %get3A_4, %dot_general3A_622 {dimension_numbers = #tpu.dot_dimension_numbers<[1], [0], [0], [1], [0, 0, 1, 1], [], []>, transpose_lhs_hint = false} : vector<128x512xbf16>, vector<512x128xbf16>, vector<128x128xf32> -> vector<128x128xf32>
    %dot_general3A_624 = arith.constant dense<0.000000e+00> : vector<128x128xf32>
    %dot_general3A_625 = tpu.matmul %convert_element_type3A_618, %get3A_4, %dot_general3A_624 {dimension_numbers = #tpu.dot_dimension_numbers<[1], [0], [0], [1], [0, 0, 1, 1], [], []>, transpose_lhs_hint = false} : vector<128x512xbf16>, vector<512x128xbf16>, vector<128x128xf32> -> vector<128x128xf32>
    %add3A_626 = arith.addf %dot_general3A_623, %dot_general3A_625 : vector<128x128xf32>
    %dot_general3A_627 = arith.constant dense<0.000000e+00> : vector<128x128xf32>
    %dot_general3A_628 = tpu.matmul %convert_element_type3A_621, %get3A_4, %dot_general3A_627 {dimension_numbers = #tpu.dot_dimension_numbers<[1], [0], [0], [1], [0, 0, 1, 1], [], []>, transpose_lhs_hint = false} : vector<128x512xbf16>, vector<512x128xbf16>, vector<128x128xf32> -> vector<128x128xf32>
    %add3A_629 = arith.addf %add3A_626, %dot_general3A_628 : vector<128x128xf32>
    %slice3A_630 = vector.extract_strided_slice %concatenate3A_614 {offsets = [0, 0], sizes = [128, 1], strides = [1, 1]} : vector<128x512xf32> to vector<128x1xf32>
    %mul3A_631 = arith.constant 0.178571433 : f32
    %mul3A_632 = vector.broadcast %mul3A_631 : f32 to vector<128x1xf32>
    %mul3A_633 = arith.mulf %mul3A_632, %slice3A_630 : vector<128x1xf32>
    %add3A_634 = arith.constant 0.000000e+00 : f32
    %add3A_635 = vector.broadcast %add3A_634 : f32 to vector<128x1xf32>
    %add3A_636 = arith.addf %add3A_635, %mul3A_633 : vector<128x1xf32>
    %slice3A_637 = vector.extract_strided_slice %concatenate3A_614 {offsets = [0, 1], sizes = [128, 1], strides = [1, 1]} : vector<128x512xf32> to vector<128x1xf32>
    %mul3A_638 = arith.constant 2.500000e-01 : f32
    %mul3A_639 = vector.broadcast %mul3A_638 : f32 to vector<128x1xf32>
    %mul3A_640 = arith.mulf %mul3A_639, %slice3A_637 : vector<128x1xf32>
    %add3A_641 = arith.addf %add3A_636, %mul3A_640 : vector<128x1xf32>
    %slice3A_642 = vector.extract_strided_slice %concatenate3A_614 {offsets = [0, 2], sizes = [128, 1], strides = [1, 1]} : vector<128x512xf32> to vector<128x1xf32>
    %mul3A_643 = arith.constant 2.500000e-01 : f32
    %mul3A_644 = vector.broadcast %mul3A_643 : f32 to vector<128x1xf32>
    %mul3A_645 = arith.mulf %mul3A_644, %slice3A_642 : vector<128x1xf32>
    %add3A_646 = arith.addf %add3A_641, %mul3A_645 : vector<128x1xf32>
    %slice3A_647 = vector.extract_strided_slice %concatenate3A_614 {offsets = [0, 3], sizes = [128, 1], strides = [1, 1]} : vector<128x512xf32> to vector<128x1xf32>
    %mul3A_648 = arith.constant 0.178571433 : f32
    %mul3A_649 = vector.broadcast %mul3A_648 : f32 to vector<128x1xf32>
    %mul3A_650 = arith.mulf %mul3A_649, %slice3A_647 : vector<128x1xf32>
    %add3A_651 = arith.addf %add3A_646, %mul3A_650 : vector<128x1xf32>
    %slice3A_652 = vector.extract_strided_slice %concatenate3A_614 {offsets = [0, 4], sizes = [128, 1], strides = [1, 1]} : vector<128x512xf32> to vector<128x1xf32>
    %mul3A_653 = arith.constant 0.107142858 : f32
    %mul3A_654 = vector.broadcast %mul3A_653 : f32 to vector<128x1xf32>
    %mul3A_655 = arith.mulf %mul3A_654, %slice3A_652 : vector<128x1xf32>
    %add3A_656 = arith.addf %add3A_651, %mul3A_655 : vector<128x1xf32>
    %slice3A_657 = vector.extract_strided_slice %concatenate3A_614 {offsets = [0, 5], sizes = [128, 1], strides = [1, 1]} : vector<128x512xf32> to vector<128x1xf32>
    %mul3A_658 = arith.constant 0.0357142873 : f32
    %mul3A_659 = vector.broadcast %mul3A_658 : f32 to vector<128x1xf32>
    %mul3A_660 = arith.mulf %mul3A_659, %slice3A_657 : vector<128x1xf32>
    %add3A_661 = arith.addf %add3A_656, %mul3A_660 : vector<128x1xf32>
    %slice3A_662 = vector.extract_strided_slice %concatenate3A_614 {offsets = [0, 506], sizes = [128, 1], strides = [1, 1]} : vector<128x512xf32> to vector<128x1xf32>
    %mul3A_663 = arith.constant 0.0357142873 : f32
    %mul3A_664 = vector.broadcast %mul3A_663 : f32 to vector<128x1xf32>
    %mul3A_665 = arith.mulf %mul3A_664, %slice3A_662 : vector<128x1xf32>
    %add3A_666 = arith.constant 0.000000e+00 : f32
    %add3A_667 = vector.broadcast %add3A_666 : f32 to vector<128x1xf32>
    %add3A_668 = arith.addf %add3A_667, %mul3A_665 : vector<128x1xf32>
    %slice3A_669 = vector.extract_strided_slice %concatenate3A_614 {offsets = [0, 507], sizes = [128, 1], strides = [1, 1]} : vector<128x512xf32> to vector<128x1xf32>
    %mul3A_670 = arith.constant 0.107142858 : f32
    %mul3A_671 = vector.broadcast %mul3A_670 : f32 to vector<128x1xf32>
    %mul3A_672 = arith.mulf %mul3A_671, %slice3A_669 : vector<128x1xf32>
    %add3A_673 = arith.addf %add3A_668, %mul3A_672 : vector<128x1xf32>
    %slice3A_674 = vector.extract_strided_slice %concatenate3A_614 {offsets = [0, 508], sizes = [128, 1], strides = [1, 1]} : vector<128x512xf32> to vector<128x1xf32>
    %mul3A_675 = arith.constant 0.178571433 : f32
    %mul3A_676 = vector.broadcast %mul3A_675 : f32 to vector<128x1xf32>
    %mul3A_677 = arith.mulf %mul3A_676, %slice3A_674 : vector<128x1xf32>
    %add3A_678 = arith.addf %add3A_673, %mul3A_677 : vector<128x1xf32>
    %slice3A_679 = vector.extract_strided_slice %concatenate3A_614 {offsets = [0, 509], sizes = [128, 1], strides = [1, 1]} : vector<128x512xf32> to vector<128x1xf32>
    %mul3A_680 = arith.constant 2.500000e-01 : f32
    %mul3A_681 = vector.broadcast %mul3A_680 : f32 to vector<128x1xf32>
    %mul3A_682 = arith.mulf %mul3A_681, %slice3A_679 : vector<128x1xf32>
    %add3A_683 = arith.addf %add3A_678, %mul3A_682 : vector<128x1xf32>
    %slice3A_684 = vector.extract_strided_slice %concatenate3A_614 {offsets = [0, 510], sizes = [128, 1], strides = [1, 1]} : vector<128x512xf32> to vector<128x1xf32>
    %mul3A_685 = arith.constant 2.500000e-01 : f32
    %mul3A_686 = vector.broadcast %mul3A_685 : f32 to vector<128x1xf32>
    %mul3A_687 = arith.mulf %mul3A_686, %slice3A_684 : vector<128x1xf32>
    %add3A_688 = arith.addf %add3A_683, %mul3A_687 : vector<128x1xf32>
    %slice3A_689 = vector.extract_strided_slice %concatenate3A_614 {offsets = [0, 511], sizes = [128, 1], strides = [1, 1]} : vector<128x512xf32> to vector<128x1xf32>
    %mul3A_690 = arith.constant 0.178571433 : f32
    %mul3A_691 = vector.broadcast %mul3A_690 : f32 to vector<128x1xf32>
    %mul3A_692 = arith.mulf %mul3A_691, %slice3A_689 : vector<128x1xf32>
    %add3A_693 = arith.addf %add3A_688, %mul3A_692 : vector<128x1xf32>
    %slice3A_694 = vector.extract_strided_slice %add3A_629 {offsets = [0, 1], sizes = [128, 126], strides = [1, 1]} : vector<128x128xf32> to vector<128x126xf32>
    %concatenate3A_695 = tpu.concatenate %add3A_661, %slice3A_694, %add3A_693 in 1 : vector<128x1xf32>, vector<128x126xf32>, vector<128x1xf32> -> vector<128x128xf32>
    %swap3A_696 = arith.constant 0 : index
    %swap3A_697 = arith.constant 3 : index
    %swap3A_698 = arith.constant 0 : index
    %swap3A_699 = arith.constant 0 : index
    %swap3A_700 = vector.load %arg6[%swap3A_696, %swap3A_697, %swap3A_698, %swap3A_699] : memref<1x6x128x128xf32, #tpu.memory_space<vmem>>, vector<1x1x128x128xf32>
    %swap3A_701 = vector.shape_cast %swap3A_700 : vector<1x1x128x128xf32> to vector<128x128xf32>
    %swap3A_702 = vector.shape_cast %concatenate3A_695 : vector<128x128xf32> to vector<1x1x128x128xf32>
    tpu.vector_store %arg6[%swap3A_696, %swap3A_697, %swap3A_698, %swap3A_699], %swap3A_702 {strides = array<i32>} : memref<1x6x128x128xf32, #tpu.memory_space<vmem>>, vector<1x1x128x128xf32>,
    %convert_element_type3A_703 = arith.truncf %concatenate3A_695 : vector<128x128xf32> to vector<128x128xbf16>
    %convert_element_type3A_704 = arith.extf %convert_element_type3A_703 : vector<128x128xbf16> to vector<128x128xf32>
    %get3A_705 = arith.constant 0 : index
    %get3A_706 = arith.constant 1 : index
    %get3A_707 = arith.constant 0 : index
    %get3A_708 = arith.constant 0 : index
    %get3A_709 = vector.load %arg2[%get3A_705, %get3A_706, %get3A_707, %get3A_708] : memref<1x3x512x512xf32, #tpu.memory_space<vmem>>, vector<1x1x512x512xf32>
    %get3A_710 = vector.shape_cast %get3A_709 : vector<1x1x512x512xf32> to vector<512x512xf32>
    %convert_element_type3A_711 = arith.truncf %get3A_710 : vector<512x512xf32> to vector<512x512xbf16>
    %convert_element_type3A_712 = arith.extf %convert_element_type3A_711 : vector<512x512xbf16> to vector<512x512xf32>
    %sub3A_713 = arith.subf %get3A_710, %convert_element_type3A_712 : vector<512x512xf32>
    %convert_element_type3A_714 = arith.truncf %sub3A_713 : vector<512x512xf32> to vector<512x512xbf16>
    %convert_element_type3A_715 = arith.extf %convert_element_type3A_714 : vector<512x512xbf16> to vector<512x512xf32>
    %sub3A_716 = arith.subf %sub3A_713, %convert_element_type3A_715 : vector<512x512xf32>
    %convert_element_type3A_717 = arith.truncf %sub3A_716 : vector<512x512xf32> to vector<512x512xbf16>
    %dot_general3A_718 = arith.constant dense<0.000000e+00> : vector<128x512xf32>
    %dot_general3A_719 = tpu.matmul %get3A_1, %convert_element_type3A_711, %dot_general3A_718 {dimension_numbers = #tpu.dot_dimension_numbers<[1], [0], [0], [1], [0, 0, 1, 1], [], []>, transpose_lhs_hint = false} : vector<128x512xbf16>, vector<512x512xbf16>, vector<128x512xf32> -> vector<128x512xf32>
    %dot_general3A_720 = arith.constant dense<0.000000e+00> : vector<128x512xf32>
    %dot_general3A_721 = tpu.matmul %get3A_1, %convert_element_type3A_714, %dot_general3A_720 {dimension_numbers = #tpu.dot_dimension_numbers<[1], [0], [0], [1], [0, 0, 1, 1], [], []>, transpose_lhs_hint = false} : vector<128x512xbf16>, vector<512x512xbf16>, vector<128x512xf32> -> vector<128x512xf32>
    %add3A_722 = arith.addf %dot_general3A_719, %dot_general3A_721 : vector<128x512xf32>
    %dot_general3A_723 = arith.constant dense<0.000000e+00> : vector<128x512xf32>
    %dot_general3A_724 = tpu.matmul %get3A_1, %convert_element_type3A_717, %dot_general3A_723 {dimension_numbers = #tpu.dot_dimension_numbers<[1], [0], [0], [1], [0, 0, 1, 1], [], []>, transpose_lhs_hint = false} : vector<128x512xbf16>, vector<512x512xbf16>, vector<128x512xf32> -> vector<128x512xf32>
    %add3A_725 = arith.addf %add3A_722, %dot_general3A_724 : vector<128x512xf32>
    %slice3A_726 = vector.extract_strided_slice %get3A_710 {offsets = [0, 0], sizes = [1, 512], strides = [1, 1]} : vector<512x512xf32> to vector<1x512xf32>
    %mul3A_727 = arith.constant 0.178571433 : f32
    %mul3A_728 = vector.broadcast %mul3A_727 : f32 to vector<1x512xf32>
    %mul3A_729 = arith.mulf %mul3A_728, %slice3A_726 : vector<1x512xf32>
    %add3A_730 = arith.constant 0.000000e+00 : f32
    %add3A_731 = vector.broadcast %add3A_730 : f32 to vector<1x512xf32>
    %add3A_732 = arith.addf %add3A_731, %mul3A_729 : vector<1x512xf32>
    %slice3A_733 = vector.extract_strided_slice %get3A_710 {offsets = [1, 0], sizes = [1, 512], strides = [1, 1]} : vector<512x512xf32> to vector<1x512xf32>
    %mul3A_734 = arith.constant 2.500000e-01 : f32
    %mul3A_735 = vector.broadcast %mul3A_734 : f32 to vector<1x512xf32>
    %mul3A_736 = arith.mulf %mul3A_735, %slice3A_733 : vector<1x512xf32>
    %add3A_737 = arith.addf %add3A_732, %mul3A_736 : vector<1x512xf32>
    %slice3A_738 = vector.extract_strided_slice %get3A_710 {offsets = [2, 0], sizes = [1, 512], strides = [1, 1]} : vector<512x512xf32> to vector<1x512xf32>
    %mul3A_739 = arith.constant 2.500000e-01 : f32
    %mul3A_740 = vector.broadcast %mul3A_739 : f32 to vector<1x512xf32>
    %mul3A_741 = arith.mulf %mul3A_740, %slice3A_738 : vector<1x512xf32>
    %add3A_742 = arith.addf %add3A_737, %mul3A_741 : vector<1x512xf32>
    %slice3A_743 = vector.extract_strided_slice %get3A_710 {offsets = [3, 0], sizes = [1, 512], strides = [1, 1]} : vector<512x512xf32> to vector<1x512xf32>
    %mul3A_744 = arith.constant 0.178571433 : f32
    %mul3A_745 = vector.broadcast %mul3A_744 : f32 to vector<1x512xf32>
    %mul3A_746 = arith.mulf %mul3A_745, %slice3A_743 : vector<1x512xf32>
    %add3A_747 = arith.addf %add3A_742, %mul3A_746 : vector<1x512xf32>
    %slice3A_748 = vector.extract_strided_slice %get3A_710 {offsets = [4, 0], sizes = [1, 512], strides = [1, 1]} : vector<512x512xf32> to vector<1x512xf32>
    %mul3A_749 = arith.constant 0.107142858 : f32
    %mul3A_750 = vector.broadcast %mul3A_749 : f32 to vector<1x512xf32>
    %mul3A_751 = arith.mulf %mul3A_750, %slice3A_748 : vector<1x512xf32>
    %add3A_752 = arith.addf %add3A_747, %mul3A_751 : vector<1x512xf32>
    %slice3A_753 = vector.extract_strided_slice %get3A_710 {offsets = [5, 0], sizes = [1, 512], strides = [1, 1]} : vector<512x512xf32> to vector<1x512xf32>
    %mul3A_754 = arith.constant 0.0357142873 : f32
    %mul3A_755 = vector.broadcast %mul3A_754 : f32 to vector<1x512xf32>
    %mul3A_756 = arith.mulf %mul3A_755, %slice3A_753 : vector<1x512xf32>
    %add3A_757 = arith.addf %add3A_752, %mul3A_756 : vector<1x512xf32>
    %slice3A_758 = vector.extract_strided_slice %get3A_710 {offsets = [506, 0], sizes = [1, 512], strides = [1, 1]} : vector<512x512xf32> to vector<1x512xf32>
    %mul3A_759 = arith.constant 0.0357142873 : f32
    %mul3A_760 = vector.broadcast %mul3A_759 : f32 to vector<1x512xf32>
    %mul3A_761 = arith.mulf %mul3A_760, %slice3A_758 : vector<1x512xf32>
    %add3A_762 = arith.constant 0.000000e+00 : f32
    %add3A_763 = vector.broadcast %add3A_762 : f32 to vector<1x512xf32>
    %add3A_764 = arith.addf %add3A_763, %mul3A_761 : vector<1x512xf32>
    %slice3A_765 = vector.extract_strided_slice %get3A_710 {offsets = [507, 0], sizes = [1, 512], strides = [1, 1]} : vector<512x512xf32> to vector<1x512xf32>
    %mul3A_766 = arith.constant 0.107142858 : f32
    %mul3A_767 = vector.broadcast %mul3A_766 : f32 to vector<1x512xf32>
    %mul3A_768 = arith.mulf %mul3A_767, %slice3A_765 : vector<1x512xf32>
    %add3A_769 = arith.addf %add3A_764, %mul3A_768 : vector<1x512xf32>
    %slice3A_770 = vector.extract_strided_slice %get3A_710 {offsets = [508, 0], sizes = [1, 512], strides = [1, 1]} : vector<512x512xf32> to vector<1x512xf32>
    %mul3A_771 = arith.constant 0.178571433 : f32
    %mul3A_772 = vector.broadcast %mul3A_771 : f32 to vector<1x512xf32>
    %mul3A_773 = arith.mulf %mul3A_772, %slice3A_770 : vector<1x512xf32>
    %add3A_774 = arith.addf %add3A_769, %mul3A_773 : vector<1x512xf32>
    %slice3A_775 = vector.extract_strided_slice %get3A_710 {offsets = [509, 0], sizes = [1, 512], strides = [1, 1]} : vector<512x512xf32> to vector<1x512xf32>
    %mul3A_776 = arith.constant 2.500000e-01 : f32
    %mul3A_777 = vector.broadcast %mul3A_776 : f32 to vector<1x512xf32>
    %mul3A_778 = arith.mulf %mul3A_777, %slice3A_775 : vector<1x512xf32>
    %add3A_779 = arith.addf %add3A_774, %mul3A_778 : vector<1x512xf32>
    %slice3A_780 = vector.extract_strided_slice %get3A_710 {offsets = [510, 0], sizes = [1, 512], strides = [1, 1]} : vector<512x512xf32> to vector<1x512xf32>
    %mul3A_781 = arith.constant 2.500000e-01 : f32
    %mul3A_782 = vector.broadcast %mul3A_781 : f32 to vector<1x512xf32>
    %mul3A_783 = arith.mulf %mul3A_782, %slice3A_780 : vector<1x512xf32>
    %add3A_784 = arith.addf %add3A_779, %mul3A_783 : vector<1x512xf32>
    %slice3A_785 = vector.extract_strided_slice %get3A_710 {offsets = [511, 0], sizes = [1, 512], strides = [1, 1]} : vector<512x512xf32> to vector<1x512xf32>
    %mul3A_786 = arith.constant 0.178571433 : f32
    %mul3A_787 = vector.broadcast %mul3A_786 : f32 to vector<1x512xf32>
    %mul3A_788 = arith.mulf %mul3A_787, %slice3A_785 : vector<1x512xf32>
    %add3A_789 = arith.addf %add3A_784, %mul3A_788 : vector<1x512xf32>
    %slice3A_790 = vector.extract_strided_slice %add3A_725 {offsets = [1, 0], sizes = [126, 512], strides = [1, 1]} : vector<128x512xf32> to vector<126x512xf32>
    %concatenate3A_791 = tpu.concatenate %add3A_757, %slice3A_790, %add3A_789 in 0 : vector<1x512xf32>, vector<126x512xf32>, vector<1x512xf32> -> vector<128x512xf32>
    %convert_element_type3A_792 = arith.truncf %concatenate3A_791 : vector<128x512xf32> to vector<128x512xbf16>
    %convert_element_type3A_793 = arith.extf %convert_element_type3A_792 : vector<128x512xbf16> to vector<128x512xf32>
    %sub3A_794 = arith.subf %concatenate3A_791, %convert_element_type3A_793 : vector<128x512xf32>
    %convert_element_type3A_795 = arith.truncf %sub3A_794 : vector<128x512xf32> to vector<128x512xbf16>
    %convert_element_type3A_796 = arith.extf %convert_element_type3A_795 : vector<128x512xbf16> to vector<128x512xf32>
    %sub3A_797 = arith.subf %sub3A_794, %convert_element_type3A_796 : vector<128x512xf32>
    %convert_element_type3A_798 = arith.truncf %sub3A_797 : vector<128x512xf32> to vector<128x512xbf16>
    %dot_general3A_799 = arith.constant dense<0.000000e+00> : vector<128x128xf32>
    %dot_general3A_800 = tpu.matmul %convert_element_type3A_792, %get3A_4, %dot_general3A_799 {dimension_numbers = #tpu.dot_dimension_numbers<[1], [0], [0], [1], [0, 0, 1, 1], [], []>, transpose_lhs_hint = false} : vector<128x512xbf16>, vector<512x128xbf16>, vector<128x128xf32> -> vector<128x128xf32>
    %dot_general3A_801 = arith.constant dense<0.000000e+00> : vector<128x128xf32>
    %dot_general3A_802 = tpu.matmul %convert_element_type3A_795, %get3A_4, %dot_general3A_801 {dimension_numbers = #tpu.dot_dimension_numbers<[1], [0], [0], [1], [0, 0, 1, 1], [], []>, transpose_lhs_hint = false} : vector<128x512xbf16>, vector<512x128xbf16>, vector<128x128xf32> -> vector<128x128xf32>
    %add3A_803 = arith.addf %dot_general3A_800, %dot_general3A_802 : vector<128x128xf32>
    %dot_general3A_804 = arith.constant dense<0.000000e+00> : vector<128x128xf32>
    %dot_general3A_805 = tpu.matmul %convert_element_type3A_798, %get3A_4, %dot_general3A_804 {dimension_numbers = #tpu.dot_dimension_numbers<[1], [0], [0], [1], [0, 0, 1, 1], [], []>, transpose_lhs_hint = false} : vector<128x512xbf16>, vector<512x128xbf16>, vector<128x128xf32> -> vector<128x128xf32>
    %add3A_806 = arith.addf %add3A_803, %dot_general3A_805 : vector<128x128xf32>
    %slice3A_807 = vector.extract_strided_slice %concatenate3A_791 {offsets = [0, 0], sizes = [128, 1], strides = [1, 1]} : vector<128x512xf32> to vector<128x1xf32>
    %mul3A_808 = arith.constant 0.178571433 : f32
    %mul3A_809 = vector.broadcast %mul3A_808 : f32 to vector<128x1xf32>
    %mul3A_810 = arith.mulf %mul3A_809, %slice3A_807 : vector<128x1xf32>
    %add3A_811 = arith.constant 0.000000e+00 : f32
    %add3A_812 = vector.broadcast %add3A_811 : f32 to vector<128x1xf32>
    %add3A_813 = arith.addf %add3A_812, %mul3A_810 : vector<128x1xf32>
    %slice3A_814 = vector.extract_strided_slice %concatenate3A_791 {offsets = [0, 1], sizes = [128, 1], strides = [1, 1]} : vector<128x512xf32> to vector<128x1xf32>
    %mul3A_815 = arith.constant 2.500000e-01 : f32
    %mul3A_816 = vector.broadcast %mul3A_815 : f32 to vector<128x1xf32>
    %mul3A_817 = arith.mulf %mul3A_816, %slice3A_814 : vector<128x1xf32>
    %add3A_818 = arith.addf %add3A_813, %mul3A_817 : vector<128x1xf32>
    %slice3A_819 = vector.extract_strided_slice %concatenate3A_791 {offsets = [0, 2], sizes = [128, 1], strides = [1, 1]} : vector<128x512xf32> to vector<128x1xf32>
    %mul3A_820 = arith.constant 2.500000e-01 : f32
    %mul3A_821 = vector.broadcast %mul3A_820 : f32 to vector<128x1xf32>
    %mul3A_822 = arith.mulf %mul3A_821, %slice3A_819 : vector<128x1xf32>
    %add3A_823 = arith.addf %add3A_818, %mul3A_822 : vector<128x1xf32>
    %slice3A_824 = vector.extract_strided_slice %concatenate3A_791 {offsets = [0, 3], sizes = [128, 1], strides = [1, 1]} : vector<128x512xf32> to vector<128x1xf32>
    %mul3A_825 = arith.constant 0.178571433 : f32
    %mul3A_826 = vector.broadcast %mul3A_825 : f32 to vector<128x1xf32>
    %mul3A_827 = arith.mulf %mul3A_826, %slice3A_824 : vector<128x1xf32>
    %add3A_828 = arith.addf %add3A_823, %mul3A_827 : vector<128x1xf32>
    %slice3A_829 = vector.extract_strided_slice %concatenate3A_791 {offsets = [0, 4], sizes = [128, 1], strides = [1, 1]} : vector<128x512xf32> to vector<128x1xf32>
    %mul3A_830 = arith.constant 0.107142858 : f32
    %mul3A_831 = vector.broadcast %mul3A_830 : f32 to vector<128x1xf32>
    %mul3A_832 = arith.mulf %mul3A_831, %slice3A_829 : vector<128x1xf32>
    %add3A_833 = arith.addf %add3A_828, %mul3A_832 : vector<128x1xf32>
    %slice3A_834 = vector.extract_strided_slice %concatenate3A_791 {offsets = [0, 5], sizes = [128, 1], strides = [1, 1]} : vector<128x512xf32> to vector<128x1xf32>
    %mul3A_835 = arith.constant 0.0357142873 : f32
    %mul3A_836 = vector.broadcast %mul3A_835 : f32 to vector<128x1xf32>
    %mul3A_837 = arith.mulf %mul3A_836, %slice3A_834 : vector<128x1xf32>
    %add3A_838 = arith.addf %add3A_833, %mul3A_837 : vector<128x1xf32>
    %slice3A_839 = vector.extract_strided_slice %concatenate3A_791 {offsets = [0, 506], sizes = [128, 1], strides = [1, 1]} : vector<128x512xf32> to vector<128x1xf32>
    %mul3A_840 = arith.constant 0.0357142873 : f32
    %mul3A_841 = vector.broadcast %mul3A_840 : f32 to vector<128x1xf32>
    %mul3A_842 = arith.mulf %mul3A_841, %slice3A_839 : vector<128x1xf32>
    %add3A_843 = arith.constant 0.000000e+00 : f32
    %add3A_844 = vector.broadcast %add3A_843 : f32 to vector<128x1xf32>
    %add3A_845 = arith.addf %add3A_844, %mul3A_842 : vector<128x1xf32>
    %slice3A_846 = vector.extract_strided_slice %concatenate3A_791 {offsets = [0, 507], sizes = [128, 1], strides = [1, 1]} : vector<128x512xf32> to vector<128x1xf32>
    %mul3A_847 = arith.constant 0.107142858 : f32
    %mul3A_848 = vector.broadcast %mul3A_847 : f32 to vector<128x1xf32>
    %mul3A_849 = arith.mulf %mul3A_848, %slice3A_846 : vector<128x1xf32>
    %add3A_850 = arith.addf %add3A_845, %mul3A_849 : vector<128x1xf32>
    %slice3A_851 = vector.extract_strided_slice %concatenate3A_791 {offsets = [0, 508], sizes = [128, 1], strides = [1, 1]} : vector<128x512xf32> to vector<128x1xf32>
    %mul3A_852 = arith.constant 0.178571433 : f32
    %mul3A_853 = vector.broadcast %mul3A_852 : f32 to vector<128x1xf32>
    %mul3A_854 = arith.mulf %mul3A_853, %slice3A_851 : vector<128x1xf32>
    %add3A_855 = arith.addf %add3A_850, %mul3A_854 : vector<128x1xf32>
    %slice3A_856 = vector.extract_strided_slice %concatenate3A_791 {offsets = [0, 509], sizes = [128, 1], strides = [1, 1]} : vector<128x512xf32> to vector<128x1xf32>
    %mul3A_857 = arith.constant 2.500000e-01 : f32
    %mul3A_858 = vector.broadcast %mul3A_857 : f32 to vector<128x1xf32>
    %mul3A_859 = arith.mulf %mul3A_858, %slice3A_856 : vector<128x1xf32>
    %add3A_860 = arith.addf %add3A_855, %mul3A_859 : vector<128x1xf32>
    %slice3A_861 = vector.extract_strided_slice %concatenate3A_791 {offsets = [0, 510], sizes = [128, 1], strides = [1, 1]} : vector<128x512xf32> to vector<128x1xf32>
    %mul3A_862 = arith.constant 2.500000e-01 : f32
    %mul3A_863 = vector.broadcast %mul3A_862 : f32 to vector<128x1xf32>
    %mul3A_864 = arith.mulf %mul3A_863, %slice3A_861 : vector<128x1xf32>
    %add3A_865 = arith.addf %add3A_860, %mul3A_864 : vector<128x1xf32>
    %slice3A_866 = vector.extract_strided_slice %concatenate3A_791 {offsets = [0, 511], sizes = [128, 1], strides = [1, 1]} : vector<128x512xf32> to vector<128x1xf32>
    %mul3A_867 = arith.constant 0.178571433 : f32
    %mul3A_868 = vector.broadcast %mul3A_867 : f32 to vector<128x1xf32>
    %mul3A_869 = arith.mulf %mul3A_868, %slice3A_866 : vector<128x1xf32>
    %add3A_870 = arith.addf %add3A_865, %mul3A_869 : vector<128x1xf32>
    %slice3A_871 = vector.extract_strided_slice %add3A_806 {offsets = [0, 1], sizes = [128, 126], strides = [1, 1]} : vector<128x128xf32> to vector<128x126xf32>
    %concatenate3A_872 = tpu.concatenate %add3A_838, %slice3A_871, %add3A_870 in 1 : vector<128x1xf32>, vector<128x126xf32>, vector<128x1xf32> -> vector<128x128xf32>
    %swap3A_873 = arith.constant 0 : index
    %swap3A_874 = arith.constant 4 : index
    %swap3A_875 = arith.constant 0 : index
    %swap3A_876 = arith.constant 0 : index
    %swap3A_877 = vector.load %arg6[%swap3A_873, %swap3A_874, %swap3A_875, %swap3A_876] : memref<1x6x128x128xf32, #tpu.memory_space<vmem>>, vector<1x1x128x128xf32>
    %swap3A_878 = vector.shape_cast %swap3A_877 : vector<1x1x128x128xf32> to vector<128x128xf32>
    %swap3A_879 = vector.shape_cast %concatenate3A_872 : vector<128x128xf32> to vector<1x1x128x128xf32>
    tpu.vector_store %arg6[%swap3A_873, %swap3A_874, %swap3A_875, %swap3A_876], %swap3A_879 {strides = array<i32>} : memref<1x6x128x128xf32, #tpu.memory_space<vmem>>, vector<1x1x128x128xf32>,
    %convert_element_type3A_880 = arith.truncf %concatenate3A_872 : vector<128x128xf32> to vector<128x128xbf16>
    %convert_element_type3A_881 = arith.extf %convert_element_type3A_880 : vector<128x128xbf16> to vector<128x128xf32>
    %get3A_882 = arith.constant 0 : index
    %get3A_883 = arith.constant 2 : index
    %get3A_884 = arith.constant 0 : index
    %get3A_885 = arith.constant 0 : index
    %get3A_886 = vector.load %arg2[%get3A_882, %get3A_883, %get3A_884, %get3A_885] : memref<1x3x512x512xf32, #tpu.memory_space<vmem>>, vector<1x1x512x512xf32>
    %get3A_887 = vector.shape_cast %get3A_886 : vector<1x1x512x512xf32> to vector<512x512xf32>
    %convert_element_type3A_888 = arith.truncf %get3A_887 : vector<512x512xf32> to vector<512x512xbf16>
    %convert_element_type3A_889 = arith.extf %convert_element_type3A_888 : vector<512x512xbf16> to vector<512x512xf32>
    %sub3A_890 = arith.subf %get3A_887, %convert_element_type3A_889 : vector<512x512xf32>
    %convert_element_type3A_891 = arith.truncf %sub3A_890 : vector<512x512xf32> to vector<512x512xbf16>
    %convert_element_type3A_892 = arith.extf %convert_element_type3A_891 : vector<512x512xbf16> to vector<512x512xf32>
    %sub3A_893 = arith.subf %sub3A_890, %convert_element_type3A_892 : vector<512x512xf32>
    %convert_element_type3A_894 = arith.truncf %sub3A_893 : vector<512x512xf32> to vector<512x512xbf16>
    %dot_general3A_895 = arith.constant dense<0.000000e+00> : vector<128x512xf32>
    %dot_general3A_896 = tpu.matmul %get3A_1, %convert_element_type3A_888, %dot_general3A_895 {dimension_numbers = #tpu.dot_dimension_numbers<[1], [0], [0], [1], [0, 0, 1, 1], [], []>, transpose_lhs_hint = false} : vector<128x512xbf16>, vector<512x512xbf16>, vector<128x512xf32> -> vector<128x512xf32>
    %dot_general3A_897 = arith.constant dense<0.000000e+00> : vector<128x512xf32>
    %dot_general3A_898 = tpu.matmul %get3A_1, %convert_element_type3A_891, %dot_general3A_897 {dimension_numbers = #tpu.dot_dimension_numbers<[1], [0], [0], [1], [0, 0, 1, 1], [], []>, transpose_lhs_hint = false} : vector<128x512xbf16>, vector<512x512xbf16>, vector<128x512xf32> -> vector<128x512xf32>
    %add3A_899 = arith.addf %dot_general3A_896, %dot_general3A_898 : vector<128x512xf32>
    %dot_general3A_900 = arith.constant dense<0.000000e+00> : vector<128x512xf32>
    %dot_general3A_901 = tpu.matmul %get3A_1, %convert_element_type3A_894, %dot_general3A_900 {dimension_numbers = #tpu.dot_dimension_numbers<[1], [0], [0], [1], [0, 0, 1, 1], [], []>, transpose_lhs_hint = false} : vector<128x512xbf16>, vector<512x512xbf16>, vector<128x512xf32> -> vector<128x512xf32>
    %add3A_902 = arith.addf %add3A_899, %dot_general3A_901 : vector<128x512xf32>
    %slice3A_903 = vector.extract_strided_slice %get3A_887 {offsets = [0, 0], sizes = [1, 512], strides = [1, 1]} : vector<512x512xf32> to vector<1x512xf32>
    %mul3A_904 = arith.constant 0.178571433 : f32
    %mul3A_905 = vector.broadcast %mul3A_904 : f32 to vector<1x512xf32>
    %mul3A_906 = arith.mulf %mul3A_905, %slice3A_903 : vector<1x512xf32>
    %add3A_907 = arith.constant 0.000000e+00 : f32
    %add3A_908 = vector.broadcast %add3A_907 : f32 to vector<1x512xf32>
    %add3A_909 = arith.addf %add3A_908, %mul3A_906 : vector<1x512xf32>
    %slice3A_910 = vector.extract_strided_slice %get3A_887 {offsets = [1, 0], sizes = [1, 512], strides = [1, 1]} : vector<512x512xf32> to vector<1x512xf32>
    %mul3A_911 = arith.constant 2.500000e-01 : f32
    %mul3A_912 = vector.broadcast %mul3A_911 : f32 to vector<1x512xf32>
    %mul3A_913 = arith.mulf %mul3A_912, %slice3A_910 : vector<1x512xf32>
    %add3A_914 = arith.addf %add3A_909, %mul3A_913 : vector<1x512xf32>
    %slice3A_915 = vector.extract_strided_slice %get3A_887 {offsets = [2, 0], sizes = [1, 512], strides = [1, 1]} : vector<512x512xf32> to vector<1x512xf32>
    %mul3A_916 = arith.constant 2.500000e-01 : f32
    %mul3A_917 = vector.broadcast %mul3A_916 : f32 to vector<1x512xf32>
    %mul3A_918 = arith.mulf %mul3A_917, %slice3A_915 : vector<1x512xf32>
    %add3A_919 = arith.addf %add3A_914, %mul3A_918 : vector<1x512xf32>
    %slice3A_920 = vector.extract_strided_slice %get3A_887 {offsets = [3, 0], sizes = [1, 512], strides = [1, 1]} : vector<512x512xf32> to vector<1x512xf32>
    %mul3A_921 = arith.constant 0.178571433 : f32
    %mul3A_922 = vector.broadcast %mul3A_921 : f32 to vector<1x512xf32>
    %mul3A_923 = arith.mulf %mul3A_922, %slice3A_920 : vector<1x512xf32>
    %add3A_924 = arith.addf %add3A_919, %mul3A_923 : vector<1x512xf32>
    %slice3A_925 = vector.extract_strided_slice %get3A_887 {offsets = [4, 0], sizes = [1, 512], strides = [1, 1]} : vector<512x512xf32> to vector<1x512xf32>
    %mul3A_926 = arith.constant 0.107142858 : f32
    %mul3A_927 = vector.broadcast %mul3A_926 : f32 to vector<1x512xf32>
    %mul3A_928 = arith.mulf %mul3A_927, %slice3A_925 : vector<1x512xf32>
    %add3A_929 = arith.addf %add3A_924, %mul3A_928 : vector<1x512xf32>
    %slice3A_930 = vector.extract_strided_slice %get3A_887 {offsets = [5, 0], sizes = [1, 512], strides = [1, 1]} : vector<512x512xf32> to vector<1x512xf32>
    %mul3A_931 = arith.constant 0.0357142873 : f32
    %mul3A_932 = vector.broadcast %mul3A_931 : f32 to vector<1x512xf32>
    %mul3A_933 = arith.mulf %mul3A_932, %slice3A_930 : vector<1x512xf32>
    %add3A_934 = arith.addf %add3A_929, %mul3A_933 : vector<1x512xf32>
    %slice3A_935 = vector.extract_strided_slice %get3A_887 {offsets = [506, 0], sizes = [1, 512], strides = [1, 1]} : vector<512x512xf32> to vector<1x512xf32>
    %mul3A_936 = arith.constant 0.0357142873 : f32
    %mul3A_937 = vector.broadcast %mul3A_936 : f32 to vector<1x512xf32>
    %mul3A_938 = arith.mulf %mul3A_937, %slice3A_935 : vector<1x512xf32>
    %add3A_939 = arith.constant 0.000000e+00 : f32
    %add3A_940 = vector.broadcast %add3A_939 : f32 to vector<1x512xf32>
    %add3A_941 = arith.addf %add3A_940, %mul3A_938 : vector<1x512xf32>
    %slice3A_942 = vector.extract_strided_slice %get3A_887 {offsets = [507, 0], sizes = [1, 512], strides = [1, 1]} : vector<512x512xf32> to vector<1x512xf32>
    %mul3A_943 = arith.constant 0.107142858 : f32
    %mul3A_944 = vector.broadcast %mul3A_943 : f32 to vector<1x512xf32>
    %mul3A_945 = arith.mulf %mul3A_944, %slice3A_942 : vector<1x512xf32>
    %add3A_946 = arith.addf %add3A_941, %mul3A_945 : vector<1x512xf32>
    %slice3A_947 = vector.extract_strided_slice %get3A_887 {offsets = [508, 0], sizes = [1, 512], strides = [1, 1]} : vector<512x512xf32> to vector<1x512xf32>
    %mul3A_948 = arith.constant 0.178571433 : f32
    %mul3A_949 = vector.broadcast %mul3A_948 : f32 to vector<1x512xf32>
    %mul3A_950 = arith.mulf %mul3A_949, %slice3A_947 : vector<1x512xf32>
    %add3A_951 = arith.addf %add3A_946, %mul3A_950 : vector<1x512xf32>
    %slice3A_952 = vector.extract_strided_slice %get3A_887 {offsets = [509, 0], sizes = [1, 512], strides = [1, 1]} : vector<512x512xf32> to vector<1x512xf32>
    %mul3A_953 = arith.constant 2.500000e-01 : f32
    %mul3A_954 = vector.broadcast %mul3A_953 : f32 to vector<1x512xf32>
    %mul3A_955 = arith.mulf %mul3A_954, %slice3A_952 : vector<1x512xf32>
    %add3A_956 = arith.addf %add3A_951, %mul3A_955 : vector<1x512xf32>
    %slice3A_957 = vector.extract_strided_slice %get3A_887 {offsets = [510, 0], sizes = [1, 512], strides = [1, 1]} : vector<512x512xf32> to vector<1x512xf32>
    %mul3A_958 = arith.constant 2.500000e-01 : f32
    %mul3A_959 = vector.broadcast %mul3A_958 : f32 to vector<1x512xf32>
    %mul3A_960 = arith.mulf %mul3A_959, %slice3A_957 : vector<1x512xf32>
    %add3A_961 = arith.addf %add3A_956, %mul3A_960 : vector<1x512xf32>
    %slice3A_962 = vector.extract_strided_slice %get3A_887 {offsets = [511, 0], sizes = [1, 512], strides = [1, 1]} : vector<512x512xf32> to vector<1x512xf32>
    %mul3A_963 = arith.constant 0.178571433 : f32
    %mul3A_964 = vector.broadcast %mul3A_963 : f32 to vector<1x512xf32>
    %mul3A_965 = arith.mulf %mul3A_964, %slice3A_962 : vector<1x512xf32>
    %add3A_966 = arith.addf %add3A_961, %mul3A_965 : vector<1x512xf32>
    %slice3A_967 = vector.extract_strided_slice %add3A_902 {offsets = [1, 0], sizes = [126, 512], strides = [1, 1]} : vector<128x512xf32> to vector<126x512xf32>
    %concatenate3A_968 = tpu.concatenate %add3A_934, %slice3A_967, %add3A_966 in 0 : vector<1x512xf32>, vector<126x512xf32>, vector<1x512xf32> -> vector<128x512xf32>
    %convert_element_type3A_969 = arith.truncf %concatenate3A_968 : vector<128x512xf32> to vector<128x512xbf16>
    %convert_element_type3A_970 = arith.extf %convert_element_type3A_969 : vector<128x512xbf16> to vector<128x512xf32>
    %sub3A_971 = arith.subf %concatenate3A_968, %convert_element_type3A_970 : vector<128x512xf32>
    %convert_element_type3A_972 = arith.truncf %sub3A_971 : vector<128x512xf32> to vector<128x512xbf16>
    %convert_element_type3A_973 = arith.extf %convert_element_type3A_972 : vector<128x512xbf16> to vector<128x512xf32>
    %sub3A_974 = arith.subf %sub3A_971, %convert_element_type3A_973 : vector<128x512xf32>
    %convert_element_type3A_975 = arith.truncf %sub3A_974 : vector<128x512xf32> to vector<128x512xbf16>
    %dot_general3A_976 = arith.constant dense<0.000000e+00> : vector<128x128xf32>
    %dot_general3A_977 = tpu.matmul %convert_element_type3A_969, %get3A_4, %dot_general3A_976 {dimension_numbers = #tpu.dot_dimension_numbers<[1], [0], [0], [1], [0, 0, 1, 1], [], []>, transpose_lhs_hint = false} : vector<128x512xbf16>, vector<512x128xbf16>, vector<128x128xf32> -> vector<128x128xf32>
    %dot_general3A_978 = arith.constant dense<0.000000e+00> : vector<128x128xf32>
    %dot_general3A_979 = tpu.matmul %convert_element_type3A_972, %get3A_4, %dot_general3A_978 {dimension_numbers = #tpu.dot_dimension_numbers<[1], [0], [0], [1], [0, 0, 1, 1], [], []>, transpose_lhs_hint = false} : vector<128x512xbf16>, vector<512x128xbf16>, vector<128x128xf32> -> vector<128x128xf32>
    %add3A_980 = arith.addf %dot_general3A_977, %dot_general3A_979 : vector<128x128xf32>
    %dot_general3A_981 = arith.constant dense<0.000000e+00> : vector<128x128xf32>
    %dot_general3A_982 = tpu.matmul %convert_element_type3A_975, %get3A_4, %dot_general3A_981 {dimension_numbers = #tpu.dot_dimension_numbers<[1], [0], [0], [1], [0, 0, 1, 1], [], []>, transpose_lhs_hint = false} : vector<128x512xbf16>, vector<512x128xbf16>, vector<128x128xf32> -> vector<128x128xf32>
    %add3A_983 = arith.addf %add3A_980, %dot_general3A_982 : vector<128x128xf32>
    %slice3A_984 = vector.extract_strided_slice %concatenate3A_968 {offsets = [0, 0], sizes = [128, 1], strides = [1, 1]} : vector<128x512xf32> to vector<128x1xf32>
    %mul3A_985 = arith.constant 0.178571433 : f32
    %mul3A_986 = vector.broadcast %mul3A_985 : f32 to vector<128x1xf32>
    %mul3A_987 = arith.mulf %mul3A_986, %slice3A_984 : vector<128x1xf32>
    %add3A_988 = arith.constant 0.000000e+00 : f32
    %add3A_989 = vector.broadcast %add3A_988 : f32 to vector<128x1xf32>
    %add3A_990 = arith.addf %add3A_989, %mul3A_987 : vector<128x1xf32>
    %slice3A_991 = vector.extract_strided_slice %concatenate3A_968 {offsets = [0, 1], sizes = [128, 1], strides = [1, 1]} : vector<128x512xf32> to vector<128x1xf32>
    %mul3A_992 = arith.constant 2.500000e-01 : f32
    %mul3A_993 = vector.broadcast %mul3A_992 : f32 to vector<128x1xf32>
    %mul3A_994 = arith.mulf %mul3A_993, %slice3A_991 : vector<128x1xf32>
    %add3A_995 = arith.addf %add3A_990, %mul3A_994 : vector<128x1xf32>
    %slice3A_996 = vector.extract_strided_slice %concatenate3A_968 {offsets = [0, 2], sizes = [128, 1], strides = [1, 1]} : vector<128x512xf32> to vector<128x1xf32>
    %mul3A_997 = arith.constant 2.500000e-01 : f32
    %mul3A_998 = vector.broadcast %mul3A_997 : f32 to vector<128x1xf32>
    %mul3A_999 = arith.mulf %mul3A_998, %slice3A_996 : vector<128x1xf32>
    %add3A_1000 = arith.addf %add3A_995, %mul3A_999 : vector<128x1xf32>
    %slice3A_1001 = vector.extract_strided_slice %concatenate3A_968 {offsets = [0, 3], sizes = [128, 1], strides = [1, 1]} : vector<128x512xf32> to vector<128x1xf32>
    %mul3A_1002 = arith.constant 0.178571433 : f32
    %mul3A_1003 = vector.broadcast %mul3A_1002 : f32 to vector<128x1xf32>
    %mul3A_1004 = arith.mulf %mul3A_1003, %slice3A_1001 : vector<128x1xf32>
    %add3A_1005 = arith.addf %add3A_1000, %mul3A_1004 : vector<128x1xf32>
    %slice3A_1006 = vector.extract_strided_slice %concatenate3A_968 {offsets = [0, 4], sizes = [128, 1], strides = [1, 1]} : vector<128x512xf32> to vector<128x1xf32>
    %mul3A_1007 = arith.constant 0.107142858 : f32
    %mul3A_1008 = vector.broadcast %mul3A_1007 : f32 to vector<128x1xf32>
    %mul3A_1009 = arith.mulf %mul3A_1008, %slice3A_1006 : vector<128x1xf32>
    %add3A_1010 = arith.addf %add3A_1005, %mul3A_1009 : vector<128x1xf32>
    %slice3A_1011 = vector.extract_strided_slice %concatenate3A_968 {offsets = [0, 5], sizes = [128, 1], strides = [1, 1]} : vector<128x512xf32> to vector<128x1xf32>
    %mul3A_1012 = arith.constant 0.0357142873 : f32
    %mul3A_1013 = vector.broadcast %mul3A_1012 : f32 to vector<128x1xf32>
    %mul3A_1014 = arith.mulf %mul3A_1013, %slice3A_1011 : vector<128x1xf32>
    %add3A_1015 = arith.addf %add3A_1010, %mul3A_1014 : vector<128x1xf32>
    %slice3A_1016 = vector.extract_strided_slice %concatenate3A_968 {offsets = [0, 506], sizes = [128, 1], strides = [1, 1]} : vector<128x512xf32> to vector<128x1xf32>
    %mul3A_1017 = arith.constant 0.0357142873 : f32
    %mul3A_1018 = vector.broadcast %mul3A_1017 : f32 to vector<128x1xf32>
    %mul3A_1019 = arith.mulf %mul3A_1018, %slice3A_1016 : vector<128x1xf32>
    %add3A_1020 = arith.constant 0.000000e+00 : f32
    %add3A_1021 = vector.broadcast %add3A_1020 : f32 to vector<128x1xf32>
    %add3A_1022 = arith.addf %add3A_1021, %mul3A_1019 : vector<128x1xf32>
    %slice3A_1023 = vector.extract_strided_slice %concatenate3A_968 {offsets = [0, 507], sizes = [128, 1], strides = [1, 1]} : vector<128x512xf32> to vector<128x1xf32>
    %mul3A_1024 = arith.constant 0.107142858 : f32
    %mul3A_1025 = vector.broadcast %mul3A_1024 : f32 to vector<128x1xf32>
    %mul3A_1026 = arith.mulf %mul3A_1025, %slice3A_1023 : vector<128x1xf32>
    %add3A_1027 = arith.addf %add3A_1022, %mul3A_1026 : vector<128x1xf32>
    %slice3A_1028 = vector.extract_strided_slice %concatenate3A_968 {offsets = [0, 508], sizes = [128, 1], strides = [1, 1]} : vector<128x512xf32> to vector<128x1xf32>
    %mul3A_1029 = arith.constant 0.178571433 : f32
    %mul3A_1030 = vector.broadcast %mul3A_1029 : f32 to vector<128x1xf32>
    %mul3A_1031 = arith.mulf %mul3A_1030, %slice3A_1028 : vector<128x1xf32>
    %add3A_1032 = arith.addf %add3A_1027, %mul3A_1031 : vector<128x1xf32>
    %slice3A_1033 = vector.extract_strided_slice %concatenate3A_968 {offsets = [0, 509], sizes = [128, 1], strides = [1, 1]} : vector<128x512xf32> to vector<128x1xf32>
    %mul3A_1034 = arith.constant 2.500000e-01 : f32
    %mul3A_1035 = vector.broadcast %mul3A_1034 : f32 to vector<128x1xf32>
    %mul3A_1036 = arith.mulf %mul3A_1035, %slice3A_1033 : vector<128x1xf32>
    %add3A_1037 = arith.addf %add3A_1032, %mul3A_1036 : vector<128x1xf32>
    %slice3A_1038 = vector.extract_strided_slice %concatenate3A_968 {offsets = [0, 510], sizes = [128, 1], strides = [1, 1]} : vector<128x512xf32> to vector<128x1xf32>
    %mul3A_1039 = arith.constant 2.500000e-01 : f32
    %mul3A_1040 = vector.broadcast %mul3A_1039 : f32 to vector<128x1xf32>
    %mul3A_1041 = arith.mulf %mul3A_1040, %slice3A_1038 : vector<128x1xf32>
    %add3A_1042 = arith.addf %add3A_1037, %mul3A_1041 : vector<128x1xf32>
    %slice3A_1043 = vector.extract_strided_slice %concatenate3A_968 {offsets = [0, 511], sizes = [128, 1], strides = [1, 1]} : vector<128x512xf32> to vector<128x1xf32>
    %mul3A_1044 = arith.constant 0.178571433 : f32
    %mul3A_1045 = vector.broadcast %mul3A_1044 : f32 to vector<128x1xf32>
    %mul3A_1046 = arith.mulf %mul3A_1045, %slice3A_1043 : vector<128x1xf32>
    %add3A_1047 = arith.addf %add3A_1042, %mul3A_1046 : vector<128x1xf32>
    %slice3A_1048 = vector.extract_strided_slice %add3A_983 {offsets = [0, 1], sizes = [128, 126], strides = [1, 1]} : vector<128x128xf32> to vector<128x126xf32>
    %concatenate3A_1049 = tpu.concatenate %add3A_1015, %slice3A_1048, %add3A_1047 in 1 : vector<128x1xf32>, vector<128x126xf32>, vector<128x1xf32> -> vector<128x128xf32>
    %swap3A_1050 = arith.constant 0 : index
    %swap3A_1051 = arith.constant 5 : index
    %swap3A_1052 = arith.constant 0 : index
    %swap3A_1053 = arith.constant 0 : index
    %swap3A_1054 = vector.load %arg6[%swap3A_1050, %swap3A_1051, %swap3A_1052, %swap3A_1053] : memref<1x6x128x128xf32, #tpu.memory_space<vmem>>, vector<1x1x128x128xf32>
    %swap3A_1055 = vector.shape_cast %swap3A_1054 : vector<1x1x128x128xf32> to vector<128x128xf32>
    %swap3A_1056 = vector.shape_cast %concatenate3A_1049 : vector<128x128xf32> to vector<1x1x128x128xf32>
    tpu.vector_store %arg6[%swap3A_1050, %swap3A_1051, %swap3A_1052, %swap3A_1053], %swap3A_1056 {strides = array<i32>} : memref<1x6x128x128xf32, #tpu.memory_space<vmem>>, vector<1x1x128x128xf32>,
    %convert_element_type3A_1057 = arith.truncf %concatenate3A_1049 : vector<128x128xf32> to vector<128x128xbf16>
    %convert_element_type3A_1058 = arith.extf %convert_element_type3A_1057 : vector<128x128xbf16> to vector<128x128xf32>
    %get3A_1059 = arith.constant 0 : index
    %get3A_1060 = arith.constant 0 : index
    %get3A_1061 = arith.constant 0 : index
    %get3A_1062 = arith.constant 0 : index
    %get3A_1063 = vector.load %arg5[%get3A_1059, %get3A_1060, %get3A_1061, %get3A_1062] : memref<8x6x128x128xbf16, #tpu.memory_space<vmem>>, vector<1x1x128x128xbf16>
    %get3A_1064 = vector.shape_cast %get3A_1063 : vector<1x1x128x128xbf16> to vector<128x128xbf16>
    %convert_element_type3A_1065 = arith.extf %get3A_1064 : vector<128x128xbf16> to vector<128x128xf32>
    %mul3A_1066 = arith.mulf %convert_element_type3A_173, %convert_element_type3A_1065 : vector<128x128xf32>
    %get3A_1067 = arith.constant 0 : index
    %get3A_1068 = arith.constant 1 : index
    %get3A_1069 = arith.constant 0 : index
    %get3A_1070 = arith.constant 0 : index
    %get3A_1071 = vector.load %arg5[%get3A_1067, %get3A_1068, %get3A_1069, %get3A_1070] : memref<8x6x128x128xbf16, #tpu.memory_space<vmem>>, vector<1x1x128x128xbf16>
    %get3A_1072 = vector.shape_cast %get3A_1071 : vector<1x1x128x128xbf16> to vector<128x128xbf16>
    %convert_element_type3A_1073 = arith.extf %get3A_1072 : vector<128x128xbf16> to vector<128x128xf32>
    %mul3A_1074 = arith.mulf %convert_element_type3A_350, %convert_element_type3A_1073 : vector<128x128xf32>
    %add3A_1075 = arith.addf %mul3A_1066, %mul3A_1074 : vector<128x128xf32>
    %get3A_1076 = arith.constant 0 : index
    %get3A_1077 = arith.constant 2 : index
    %get3A_1078 = arith.constant 0 : index
    %get3A_1079 = arith.constant 0 : index
    %get3A_1080 = vector.load %arg5[%get3A_1076, %get3A_1077, %get3A_1078, %get3A_1079] : memref<8x6x128x128xbf16, #tpu.memory_space<vmem>>, vector<1x1x128x128xbf16>
    %get3A_1081 = vector.shape_cast %get3A_1080 : vector<1x1x128x128xbf16> to vector<128x128xbf16>
    %convert_element_type3A_1082 = arith.extf %get3A_1081 : vector<128x128xbf16> to vector<128x128xf32>
    %mul3A_1083 = arith.mulf %convert_element_type3A_527, %convert_element_type3A_1082 : vector<128x128xf32>
    %add3A_1084 = arith.addf %add3A_1075, %mul3A_1083 : vector<128x128xf32>
    %get3A_1085 = arith.constant 0 : index
    %get3A_1086 = arith.constant 3 : index
    %get3A_1087 = arith.constant 0 : index
    %get3A_1088 = arith.constant 0 : index
    %get3A_1089 = vector.load %arg5[%get3A_1085, %get3A_1086, %get3A_1087, %get3A_1088] : memref<8x6x128x128xbf16, #tpu.memory_space<vmem>>, vector<1x1x128x128xbf16>
    %get3A_1090 = vector.shape_cast %get3A_1089 : vector<1x1x128x128xbf16> to vector<128x128xbf16>
    %convert_element_type3A_1091 = arith.extf %get3A_1090 : vector<128x128xbf16> to vector<128x128xf32>
    %mul3A_1092 = arith.mulf %convert_element_type3A_704, %convert_element_type3A_1091 : vector<128x128xf32>
    %add3A_1093 = arith.addf %add3A_1084, %mul3A_1092 : vector<128x128xf32>
    %get3A_1094 = arith.constant 0 : index
    %get3A_1095 = arith.constant 4 : index
    %get3A_1096 = arith.constant 0 : index
    %get3A_1097 = arith.constant 0 : index
    %get3A_1098 = vector.load %arg5[%get3A_1094, %get3A_1095, %get3A_1096, %get3A_1097] : memref<8x6x128x128xbf16, #tpu.memory_space<vmem>>, vector<1x1x128x128xbf16>
    %get3A_1099 = vector.shape_cast %get3A_1098 : vector<1x1x128x128xbf16> to vector<128x128xbf16>
    %convert_element_type3A_1100 = arith.extf %get3A_1099 : vector<128x128xbf16> to vector<128x128xf32>
    %mul3A_1101 = arith.mulf %convert_element_type3A_881, %convert_element_type3A_1100 : vector<128x128xf32>
    %add3A_1102 = arith.addf %add3A_1093, %mul3A_1101 : vector<128x128xf32>
    %get3A_1103 = arith.constant 0 : index
    %get3A_1104 = arith.constant 5 : index
    %get3A_1105 = arith.constant 0 : index
    %get3A_1106 = arith.constant 0 : index
    %get3A_1107 = vector.load %arg5[%get3A_1103, %get3A_1104, %get3A_1105, %get3A_1106] : memref<8x6x128x128xbf16, #tpu.memory_space<vmem>>, vector<1x1x128x128xbf16>
    %get3A_1108 = vector.shape_cast %get3A_1107 : vector<1x1x128x128xbf16> to vector<128x128xbf16>
    %convert_element_type3A_1109 = arith.extf %get3A_1108 : vector<128x128xbf16> to vector<128x128xf32>
    %mul3A_1110 = arith.mulf %convert_element_type3A_1058, %convert_element_type3A_1109 : vector<128x128xf32>
    %add3A_1111 = arith.addf %add3A_1102, %mul3A_1110 : vector<128x128xf32>
    %reduce_sum3A = vector.shape_cast %add3A_1111 : vector<128x128xf32> to vector<1x128x128xf32>
    %reduce_sum3A_1112 = arith.constant dense<0.000000e+00> : vector<1xf32>
    %reduce_sum3A_1113 = vector.multi_reduction <add>, %reduce_sum3A, %reduce_sum3A_1112 [1, 2] : vector<1x128x128xf32> to vector<1xf32>
    %reduce_sum3A_1114 = vector.shape_cast %reduce_sum3A_1113 : vector<1xf32> to vector<1x1x1xf32>
    %reduce_sum3A_1115 = vector.extract %reduce_sum3A_1114[0, 0, 0] : f32 from vector<1x1x1xf32>
    %reshape3A = vector.broadcast %reduce_sum3A_1115 : f32 to vector<1x1xf32>
    %get3A_1116 = arith.constant 1 : index
    %get3A_1117 = arith.constant 0 : index
    %get3A_1118 = arith.constant 0 : index
    %get3A_1119 = arith.constant 0 : index
    %get3A_1120 = vector.load %arg5[%get3A_1116, %get3A_1117, %get3A_1118, %get3A_1119] : memref<8x6x128x128xbf16, #tpu.memory_space<vmem>>, vector<1x1x128x128xbf16>
    %get3A_1121 = vector.shape_cast %get3A_1120 : vector<1x1x128x128xbf16> to vector<128x128xbf16>
    %convert_element_type3A_1122 = arith.extf %get3A_1121 : vector<128x128xbf16> to vector<128x128xf32>
    %mul3A_1123 = arith.mulf %convert_element_type3A_173, %convert_element_type3A_1122 : vector<128x128xf32>
    %get3A_1124 = arith.constant 1 : index
    %get3A_1125 = arith.constant 1 : index
    %get3A_1126 = arith.constant 0 : index
    %get3A_1127 = arith.constant 0 : index
    %get3A_1128 = vector.load %arg5[%get3A_1124, %get3A_1125, %get3A_1126, %get3A_1127] : memref<8x6x128x128xbf16, #tpu.memory_space<vmem>>, vector<1x1x128x128xbf16>
    %get3A_1129 = vector.shape_cast %get3A_1128 : vector<1x1x128x128xbf16> to vector<128x128xbf16>
    %convert_element_type3A_1130 = arith.extf %get3A_1129 : vector<128x128xbf16> to vector<128x128xf32>
    %mul3A_1131 = arith.mulf %convert_element_type3A_350, %convert_element_type3A_1130 : vector<128x128xf32>
    %add3A_1132 = arith.addf %mul3A_1123, %mul3A_1131 : vector<128x128xf32>
    %get3A_1133 = arith.constant 1 : index
    %get3A_1134 = arith.constant 2 : index
    %get3A_1135 = arith.constant 0 : index
    %get3A_1136 = arith.constant 0 : index
    %get3A_1137 = vector.load %arg5[%get3A_1133, %get3A_1134, %get3A_1135, %get3A_1136] : memref<8x6x128x128xbf16, #tpu.memory_space<vmem>>, vector<1x1x128x128xbf16>
    %get3A_1138 = vector.shape_cast %get3A_1137 : vector<1x1x128x128xbf16> to vector<128x128xbf16>
    %convert_element_type3A_1139 = arith.extf %get3A_1138 : vector<128x128xbf16> to vector<128x128xf32>
    %mul3A_1140 = arith.mulf %convert_element_type3A_527, %convert_element_type3A_1139 : vector<128x128xf32>
    %add3A_1141 = arith.addf %add3A_1132, %mul3A_1140 : vector<128x128xf32>
    %get3A_1142 = arith.constant 1 : index
    %get3A_1143 = arith.constant 3 : index
    %get3A_1144 = arith.constant 0 : index
    %get3A_1145 = arith.constant 0 : index
    %get3A_1146 = vector.load %arg5[%get3A_1142, %get3A_1143, %get3A_1144, %get3A_1145] : memref<8x6x128x128xbf16, #tpu.memory_space<vmem>>, vector<1x1x128x128xbf16>
    %get3A_1147 = vector.shape_cast %get3A_1146 : vector<1x1x128x128xbf16> to vector<128x128xbf16>
    %convert_element_type3A_1148 = arith.extf %get3A_1147 : vector<128x128xbf16> to vector<128x128xf32>
    %mul3A_1149 = arith.mulf %convert_element_type3A_704, %convert_element_type3A_1148 : vector<128x128xf32>
    %add3A_1150 = arith.addf %add3A_1141, %mul3A_1149 : vector<128x128xf32>
    %get3A_1151 = arith.constant 1 : index
    %get3A_1152 = arith.constant 4 : index
    %get3A_1153 = arith.constant 0 : index
    %get3A_1154 = arith.constant 0 : index
    %get3A_1155 = vector.load %arg5[%get3A_1151, %get3A_1152, %get3A_1153, %get3A_1154] : memref<8x6x128x128xbf16, #tpu.memory_space<vmem>>, vector<1x1x128x128xbf16>
    %get3A_1156 = vector.shape_cast %get3A_1155 : vector<1x1x128x128xbf16> to vector<128x128xbf16>
    %convert_element_type3A_1157 = arith.extf %get3A_1156 : vector<128x128xbf16> to vector<128x128xf32>
    %mul3A_1158 = arith.mulf %convert_element_type3A_881, %convert_element_type3A_1157 : vector<128x128xf32>
    %add3A_1159 = arith.addf %add3A_1150, %mul3A_1158 : vector<128x128xf32>
    %get3A_1160 = arith.constant 1 : index
    %get3A_1161 = arith.constant 5 : index
    %get3A_1162 = arith.constant 0 : index
    %get3A_1163 = arith.constant 0 : index
    %get3A_1164 = vector.load %arg5[%get3A_1160, %get3A_1161, %get3A_1162, %get3A_1163] : memref<8x6x128x128xbf16, #tpu.memory_space<vmem>>, vector<1x1x128x128xbf16>
    %get3A_1165 = vector.shape_cast %get3A_1164 : vector<1x1x128x128xbf16> to vector<128x128xbf16>
    %convert_element_type3A_1166 = arith.extf %get3A_1165 : vector<128x128xbf16> to vector<128x128xf32>
    %mul3A_1167 = arith.mulf %convert_element_type3A_1058, %convert_element_type3A_1166 : vector<128x128xf32>
    %add3A_1168 = arith.addf %add3A_1159, %mul3A_1167 : vector<128x128xf32>
    %reduce_sum3A_1169 = vector.shape_cast %add3A_1168 : vector<128x128xf32> to vector<1x128x128xf32>
    %reduce_sum3A_1170 = arith.constant dense<0.000000e+00> : vector<1xf32>
    %reduce_sum3A_1171 = vector.multi_reduction <add>, %reduce_sum3A_1169, %reduce_sum3A_1170 [1, 2] : vector<1x128x128xf32> to vector<1xf32>
    %reduce_sum3A_1172 = vector.shape_cast %reduce_sum3A_1171 : vector<1xf32> to vector<1x1x1xf32>
    %reduce_sum3A_1173 = vector.extract %reduce_sum3A_1172[0, 0, 0] : f32 from vector<1x1x1xf32>
    %reshape3A_1174 = vector.broadcast %reduce_sum3A_1173 : f32 to vector<1x1xf32>
    %get3A_1175 = arith.constant 2 : index
    %get3A_1176 = arith.constant 0 : index
    %get3A_1177 = arith.constant 0 : index
    %get3A_1178 = arith.constant 0 : index
    %get3A_1179 = vector.load %arg5[%get3A_1175, %get3A_1176, %get3A_1177, %get3A_1178] : memref<8x6x128x128xbf16, #tpu.memory_space<vmem>>, vector<1x1x128x128xbf16>
    %get3A_1180 = vector.shape_cast %get3A_1179 : vector<1x1x128x128xbf16> to vector<128x128xbf16>
    %convert_element_type3A_1181 = arith.extf %get3A_1180 : vector<128x128xbf16> to vector<128x128xf32>
    %mul3A_1182 = arith.mulf %convert_element_type3A_173, %convert_element_type3A_1181 : vector<128x128xf32>
    %get3A_1183 = arith.constant 2 : index
    %get3A_1184 = arith.constant 1 : index
    %get3A_1185 = arith.constant 0 : index
    %get3A_1186 = arith.constant 0 : index
    %get3A_1187 = vector.load %arg5[%get3A_1183, %get3A_1184, %get3A_1185, %get3A_1186] : memref<8x6x128x128xbf16, #tpu.memory_space<vmem>>, vector<1x1x128x128xbf16>
    %get3A_1188 = vector.shape_cast %get3A_1187 : vector<1x1x128x128xbf16> to vector<128x128xbf16>
    %convert_element_type3A_1189 = arith.extf %get3A_1188 : vector<128x128xbf16> to vector<128x128xf32>
    %mul3A_1190 = arith.mulf %convert_element_type3A_350, %convert_element_type3A_1189 : vector<128x128xf32>
    %add3A_1191 = arith.addf %mul3A_1182, %mul3A_1190 : vector<128x128xf32>
    %get3A_1192 = arith.constant 2 : index
    %get3A_1193 = arith.constant 2 : index
    %get3A_1194 = arith.constant 0 : index
    %get3A_1195 = arith.constant 0 : index
    %get3A_1196 = vector.load %arg5[%get3A_1192, %get3A_1193, %get3A_1194, %get3A_1195] : memref<8x6x128x128xbf16, #tpu.memory_space<vmem>>, vector<1x1x128x128xbf16>
    %get3A_1197 = vector.shape_cast %get3A_1196 : vector<1x1x128x128xbf16> to vector<128x128xbf16>
    %convert_element_type3A_1198 = arith.extf %get3A_1197 : vector<128x128xbf16> to vector<128x128xf32>
    %mul3A_1199 = arith.mulf %convert_element_type3A_527, %convert_element_type3A_1198 : vector<128x128xf32>
    %add3A_1200 = arith.addf %add3A_1191, %mul3A_1199 : vector<128x128xf32>
    %get3A_1201 = arith.constant 2 : index
    %get3A_1202 = arith.constant 3 : index
    %get3A_1203 = arith.constant 0 : index
    %get3A_1204 = arith.constant 0 : index
    %get3A_1205 = vector.load %arg5[%get3A_1201, %get3A_1202, %get3A_1203, %get3A_1204] : memref<8x6x128x128xbf16, #tpu.memory_space<vmem>>, vector<1x1x128x128xbf16>
    %get3A_1206 = vector.shape_cast %get3A_1205 : vector<1x1x128x128xbf16> to vector<128x128xbf16>
    %convert_element_type3A_1207 = arith.extf %get3A_1206 : vector<128x128xbf16> to vector<128x128xf32>
    %mul3A_1208 = arith.mulf %convert_element_type3A_704, %convert_element_type3A_1207 : vector<128x128xf32>
    %add3A_1209 = arith.addf %add3A_1200, %mul3A_1208 : vector<128x128xf32>
    %get3A_1210 = arith.constant 2 : index
    %get3A_1211 = arith.constant 4 : index
    %get3A_1212 = arith.constant 0 : index
    %get3A_1213 = arith.constant 0 : index
    %get3A_1214 = vector.load %arg5[%get3A_1210, %get3A_1211, %get3A_1212, %get3A_1213] : memref<8x6x128x128xbf16, #tpu.memory_space<vmem>>, vector<1x1x128x128xbf16>
    %get3A_1215 = vector.shape_cast %get3A_1214 : vector<1x1x128x128xbf16> to vector<128x128xbf16>
    %convert_element_type3A_1216 = arith.extf %get3A_1215 : vector<128x128xbf16> to vector<128x128xf32>
    %mul3A_1217 = arith.mulf %convert_element_type3A_881, %convert_element_type3A_1216 : vector<128x128xf32>
    %add3A_1218 = arith.addf %add3A_1209, %mul3A_1217 : vector<128x128xf32>
    %get3A_1219 = arith.constant 2 : index
    %get3A_1220 = arith.constant 5 : index
    %get3A_1221 = arith.constant 0 : index
    %get3A_1222 = arith.constant 0 : index
    %get3A_1223 = vector.load %arg5[%get3A_1219, %get3A_1220, %get3A_1221, %get3A_1222] : memref<8x6x128x128xbf16, #tpu.memory_space<vmem>>, vector<1x1x128x128xbf16>
    %get3A_1224 = vector.shape_cast %get3A_1223 : vector<1x1x128x128xbf16> to vector<128x128xbf16>
    %convert_element_type3A_1225 = arith.extf %get3A_1224 : vector<128x128xbf16> to vector<128x128xf32>
    %mul3A_1226 = arith.mulf %convert_element_type3A_1058, %convert_element_type3A_1225 : vector<128x128xf32>
    %add3A_1227 = arith.addf %add3A_1218, %mul3A_1226 : vector<128x128xf32>
    %reduce_sum3A_1228 = vector.shape_cast %add3A_1227 : vector<128x128xf32> to vector<1x128x128xf32>
    %reduce_sum3A_1229 = arith.constant dense<0.000000e+00> : vector<1xf32>
    %reduce_sum3A_1230 = vector.multi_reduction <add>, %reduce_sum3A_1228, %reduce_sum3A_1229 [1, 2] : vector<1x128x128xf32> to vector<1xf32>
    %reduce_sum3A_1231 = vector.shape_cast %reduce_sum3A_1230 : vector<1xf32> to vector<1x1x1xf32>
    %reduce_sum3A_1232 = vector.extract %reduce_sum3A_1231[0, 0, 0] : f32 from vector<1x1x1xf32>
    %reshape3A_1233 = vector.broadcast %reduce_sum3A_1232 : f32 to vector<1x1xf32>
    %get3A_1234 = arith.constant 3 : index
    %get3A_1235 = arith.constant 0 : index
    %get3A_1236 = arith.constant 0 : index
    %get3A_1237 = arith.constant 0 : index
    %get3A_1238 = vector.load %arg5[%get3A_1234, %get3A_1235, %get3A_1236, %get3A_1237] : memref<8x6x128x128xbf16, #tpu.memory_space<vmem>>, vector<1x1x128x128xbf16>
    %get3A_1239 = vector.shape_cast %get3A_1238 : vector<1x1x128x128xbf16> to vector<128x128xbf16>
    %convert_element_type3A_1240 = arith.extf %get3A_1239 : vector<128x128xbf16> to vector<128x128xf32>
    %mul3A_1241 = arith.mulf %convert_element_type3A_173, %convert_element_type3A_1240 : vector<128x128xf32>
    %get3A_1242 = arith.constant 3 : index
    %get3A_1243 = arith.constant 1 : index
    %get3A_1244 = arith.constant 0 : index
    %get3A_1245 = arith.constant 0 : index
    %get3A_1246 = vector.load %arg5[%get3A_1242, %get3A_1243, %get3A_1244, %get3A_1245] : memref<8x6x128x128xbf16, #tpu.memory_space<vmem>>, vector<1x1x128x128xbf16>
    %get3A_1247 = vector.shape_cast %get3A_1246 : vector<1x1x128x128xbf16> to vector<128x128xbf16>
    %convert_element_type3A_1248 = arith.extf %get3A_1247 : vector<128x128xbf16> to vector<128x128xf32>
    %mul3A_1249 = arith.mulf %convert_element_type3A_350, %convert_element_type3A_1248 : vector<128x128xf32>
    %add3A_1250 = arith.addf %mul3A_1241, %mul3A_1249 : vector<128x128xf32>
    %get3A_1251 = arith.constant 3 : index
    %get3A_1252 = arith.constant 2 : index
    %get3A_1253 = arith.constant 0 : index
    %get3A_1254 = arith.constant 0 : index
    %get3A_1255 = vector.load %arg5[%get3A_1251, %get3A_1252, %get3A_1253, %get3A_1254] : memref<8x6x128x128xbf16, #tpu.memory_space<vmem>>, vector<1x1x128x128xbf16>
    %get3A_1256 = vector.shape_cast %get3A_1255 : vector<1x1x128x128xbf16> to vector<128x128xbf16>
    %convert_element_type3A_1257 = arith.extf %get3A_1256 : vector<128x128xbf16> to vector<128x128xf32>
    %mul3A_1258 = arith.mulf %convert_element_type3A_527, %convert_element_type3A_1257 : vector<128x128xf32>
    %add3A_1259 = arith.addf %add3A_1250, %mul3A_1258 : vector<128x128xf32>
    %get3A_1260 = arith.constant 3 : index
    %get3A_1261 = arith.constant 3 : index
    %get3A_1262 = arith.constant 0 : index
    %get3A_1263 = arith.constant 0 : index
    %get3A_1264 = vector.load %arg5[%get3A_1260, %get3A_1261, %get3A_1262, %get3A_1263] : memref<8x6x128x128xbf16, #tpu.memory_space<vmem>>, vector<1x1x128x128xbf16>
    %get3A_1265 = vector.shape_cast %get3A_1264 : vector<1x1x128x128xbf16> to vector<128x128xbf16>
    %convert_element_type3A_1266 = arith.extf %get3A_1265 : vector<128x128xbf16> to vector<128x128xf32>
    %mul3A_1267 = arith.mulf %convert_element_type3A_704, %convert_element_type3A_1266 : vector<128x128xf32>
    %add3A_1268 = arith.addf %add3A_1259, %mul3A_1267 : vector<128x128xf32>
    %get3A_1269 = arith.constant 3 : index
    %get3A_1270 = arith.constant 4 : index
    %get3A_1271 = arith.constant 0 : index
    %get3A_1272 = arith.constant 0 : index
    %get3A_1273 = vector.load %arg5[%get3A_1269, %get3A_1270, %get3A_1271, %get3A_1272] : memref<8x6x128x128xbf16, #tpu.memory_space<vmem>>, vector<1x1x128x128xbf16>
    %get3A_1274 = vector.shape_cast %get3A_1273 : vector<1x1x128x128xbf16> to vector<128x128xbf16>
    %convert_element_type3A_1275 = arith.extf %get3A_1274 : vector<128x128xbf16> to vector<128x128xf32>
    %mul3A_1276 = arith.mulf %convert_element_type3A_881, %convert_element_type3A_1275 : vector<128x128xf32>
    %add3A_1277 = arith.addf %add3A_1268, %mul3A_1276 : vector<128x128xf32>
    %get3A_1278 = arith.constant 3 : index
    %get3A_1279 = arith.constant 5 : index
    %get3A_1280 = arith.constant 0 : index
    %get3A_1281 = arith.constant 0 : index
    %get3A_1282 = vector.load %arg5[%get3A_1278, %get3A_1279, %get3A_1280, %get3A_1281] : memref<8x6x128x128xbf16, #tpu.memory_space<vmem>>, vector<1x1x128x128xbf16>
    %get3A_1283 = vector.shape_cast %get3A_1282 : vector<1x1x128x128xbf16> to vector<128x128xbf16>
    %convert_element_type3A_1284 = arith.extf %get3A_1283 : vector<128x128xbf16> to vector<128x128xf32>
    %mul3A_1285 = arith.mulf %convert_element_type3A_1058, %convert_element_type3A_1284 : vector<128x128xf32>
    %add3A_1286 = arith.addf %add3A_1277, %mul3A_1285 : vector<128x128xf32>
    %reduce_sum3A_1287 = vector.shape_cast %add3A_1286 : vector<128x128xf32> to vector<1x128x128xf32>
    %reduce_sum3A_1288 = arith.constant dense<0.000000e+00> : vector<1xf32>
    %reduce_sum3A_1289 = vector.multi_reduction <add>, %reduce_sum3A_1287, %reduce_sum3A_1288 [1, 2] : vector<1x128x128xf32> to vector<1xf32>
    %reduce_sum3A_1290 = vector.shape_cast %reduce_sum3A_1289 : vector<1xf32> to vector<1x1x1xf32>
    %reduce_sum3A_1291 = vector.extract %reduce_sum3A_1290[0, 0, 0] : f32 from vector<1x1x1xf32>
    %reshape3A_1292 = vector.broadcast %reduce_sum3A_1291 : f32 to vector<1x1xf32>
    %get3A_1293 = arith.constant 4 : index
    %get3A_1294 = arith.constant 0 : index
    %get3A_1295 = arith.constant 0 : index
    %get3A_1296 = arith.constant 0 : index
    %get3A_1297 = vector.load %arg5[%get3A_1293, %get3A_1294, %get3A_1295, %get3A_1296] : memref<8x6x128x128xbf16, #tpu.memory_space<vmem>>, vector<1x1x128x128xbf16>
    %get3A_1298 = vector.shape_cast %get3A_1297 : vector<1x1x128x128xbf16> to vector<128x128xbf16>
    %convert_element_type3A_1299 = arith.extf %get3A_1298 : vector<128x128xbf16> to vector<128x128xf32>
    %mul3A_1300 = arith.mulf %convert_element_type3A_173, %convert_element_type3A_1299 : vector<128x128xf32>
    %get3A_1301 = arith.constant 4 : index
    %get3A_1302 = arith.constant 1 : index
    %get3A_1303 = arith.constant 0 : index
    %get3A_1304 = arith.constant 0 : index
    %get3A_1305 = vector.load %arg5[%get3A_1301, %get3A_1302, %get3A_1303, %get3A_1304] : memref<8x6x128x128xbf16, #tpu.memory_space<vmem>>, vector<1x1x128x128xbf16>
    %get3A_1306 = vector.shape_cast %get3A_1305 : vector<1x1x128x128xbf16> to vector<128x128xbf16>
    %convert_element_type3A_1307 = arith.extf %get3A_1306 : vector<128x128xbf16> to vector<128x128xf32>
    %mul3A_1308 = arith.mulf %convert_element_type3A_350, %convert_element_type3A_1307 : vector<128x128xf32>
    %add3A_1309 = arith.addf %mul3A_1300, %mul3A_1308 : vector<128x128xf32>
    %get3A_1310 = arith.constant 4 : index
    %get3A_1311 = arith.constant 2 : index
    %get3A_1312 = arith.constant 0 : index
    %get3A_1313 = arith.constant 0 : index
    %get3A_1314 = vector.load %arg5[%get3A_1310, %get3A_1311, %get3A_1312, %get3A_1313] : memref<8x6x128x128xbf16, #tpu.memory_space<vmem>>, vector<1x1x128x128xbf16>
    %get3A_1315 = vector.shape_cast %get3A_1314 : vector<1x1x128x128xbf16> to vector<128x128xbf16>
    %convert_element_type3A_1316 = arith.extf %get3A_1315 : vector<128x128xbf16> to vector<128x128xf32>
    %mul3A_1317 = arith.mulf %convert_element_type3A_527, %convert_element_type3A_1316 : vector<128x128xf32>
    %add3A_1318 = arith.addf %add3A_1309, %mul3A_1317 : vector<128x128xf32>
    %get3A_1319 = arith.constant 4 : index
    %get3A_1320 = arith.constant 3 : index
    %get3A_1321 = arith.constant 0 : index
    %get3A_1322 = arith.constant 0 : index
    %get3A_1323 = vector.load %arg5[%get3A_1319, %get3A_1320, %get3A_1321, %get3A_1322] : memref<8x6x128x128xbf16, #tpu.memory_space<vmem>>, vector<1x1x128x128xbf16>
    %get3A_1324 = vector.shape_cast %get3A_1323 : vector<1x1x128x128xbf16> to vector<128x128xbf16>
    %convert_element_type3A_1325 = arith.extf %get3A_1324 : vector<128x128xbf16> to vector<128x128xf32>
    %mul3A_1326 = arith.mulf %convert_element_type3A_704, %convert_element_type3A_1325 : vector<128x128xf32>
    %add3A_1327 = arith.addf %add3A_1318, %mul3A_1326 : vector<128x128xf32>
    %get3A_1328 = arith.constant 4 : index
    %get3A_1329 = arith.constant 4 : index
    %get3A_1330 = arith.constant 0 : index
    %get3A_1331 = arith.constant 0 : index
    %get3A_1332 = vector.load %arg5[%get3A_1328, %get3A_1329, %get3A_1330, %get3A_1331] : memref<8x6x128x128xbf16, #tpu.memory_space<vmem>>, vector<1x1x128x128xbf16>
    %get3A_1333 = vector.shape_cast %get3A_1332 : vector<1x1x128x128xbf16> to vector<128x128xbf16>
    %convert_element_type3A_1334 = arith.extf %get3A_1333 : vector<128x128xbf16> to vector<128x128xf32>
    %mul3A_1335 = arith.mulf %convert_element_type3A_881, %convert_element_type3A_1334 : vector<128x128xf32>
    %add3A_1336 = arith.addf %add3A_1327, %mul3A_1335 : vector<128x128xf32>
    %get3A_1337 = arith.constant 4 : index
    %get3A_1338 = arith.constant 5 : index
    %get3A_1339 = arith.constant 0 : index
    %get3A_1340 = arith.constant 0 : index
    %get3A_1341 = vector.load %arg5[%get3A_1337, %get3A_1338, %get3A_1339, %get3A_1340] : memref<8x6x128x128xbf16, #tpu.memory_space<vmem>>, vector<1x1x128x128xbf16>
    %get3A_1342 = vector.shape_cast %get3A_1341 : vector<1x1x128x128xbf16> to vector<128x128xbf16>
    %convert_element_type3A_1343 = arith.extf %get3A_1342 : vector<128x128xbf16> to vector<128x128xf32>
    %mul3A_1344 = arith.mulf %convert_element_type3A_1058, %convert_element_type3A_1343 : vector<128x128xf32>
    %add3A_1345 = arith.addf %add3A_1336, %mul3A_1344 : vector<128x128xf32>
    %reduce_sum3A_1346 = vector.shape_cast %add3A_1345 : vector<128x128xf32> to vector<1x128x128xf32>
    %reduce_sum3A_1347 = arith.constant dense<0.000000e+00> : vector<1xf32>
    %reduce_sum3A_1348 = vector.multi_reduction <add>, %reduce_sum3A_1346, %reduce_sum3A_1347 [1, 2] : vector<1x128x128xf32> to vector<1xf32>
    %reduce_sum3A_1349 = vector.shape_cast %reduce_sum3A_1348 : vector<1xf32> to vector<1x1x1xf32>
    %reduce_sum3A_1350 = vector.extract %reduce_sum3A_1349[0, 0, 0] : f32 from vector<1x1x1xf32>
    %reshape3A_1351 = vector.broadcast %reduce_sum3A_1350 : f32 to vector<1x1xf32>
    %get3A_1352 = arith.constant 5 : index
    %get3A_1353 = arith.constant 0 : index
    %get3A_1354 = arith.constant 0 : index
    %get3A_1355 = arith.constant 0 : index
    %get3A_1356 = vector.load %arg5[%get3A_1352, %get3A_1353, %get3A_1354, %get3A_1355] : memref<8x6x128x128xbf16, #tpu.memory_space<vmem>>, vector<1x1x128x128xbf16>
    %get3A_1357 = vector.shape_cast %get3A_1356 : vector<1x1x128x128xbf16> to vector<128x128xbf16>
    %convert_element_type3A_1358 = arith.extf %get3A_1357 : vector<128x128xbf16> to vector<128x128xf32>
    %mul3A_1359 = arith.mulf %convert_element_type3A_173, %convert_element_type3A_1358 : vector<128x128xf32>
    %get3A_1360 = arith.constant 5 : index
    %get3A_1361 = arith.constant 1 : index
    %get3A_1362 = arith.constant 0 : index
    %get3A_1363 = arith.constant 0 : index
    %get3A_1364 = vector.load %arg5[%get3A_1360, %get3A_1361, %get3A_1362, %get3A_1363] : memref<8x6x128x128xbf16, #tpu.memory_space<vmem>>, vector<1x1x128x128xbf16>
    %get3A_1365 = vector.shape_cast %get3A_1364 : vector<1x1x128x128xbf16> to vector<128x128xbf16>
    %convert_element_type3A_1366 = arith.extf %get3A_1365 : vector<128x128xbf16> to vector<128x128xf32>
    %mul3A_1367 = arith.mulf %convert_element_type3A_350, %convert_element_type3A_1366 : vector<128x128xf32>
    %add3A_1368 = arith.addf %mul3A_1359, %mul3A_1367 : vector<128x128xf32>
    %get3A_1369 = arith.constant 5 : index
    %get3A_1370 = arith.constant 2 : index
    %get3A_1371 = arith.constant 0 : index
    %get3A_1372 = arith.constant 0 : index
    %get3A_1373 = vector.load %arg5[%get3A_1369, %get3A_1370, %get3A_1371, %get3A_1372] : memref<8x6x128x128xbf16, #tpu.memory_space<vmem>>, vector<1x1x128x128xbf16>
    %get3A_1374 = vector.shape_cast %get3A_1373 : vector<1x1x128x128xbf16> to vector<128x128xbf16>
    %convert_element_type3A_1375 = arith.extf %get3A_1374 : vector<128x128xbf16> to vector<128x128xf32>
    %mul3A_1376 = arith.mulf %convert_element_type3A_527, %convert_element_type3A_1375 : vector<128x128xf32>
    %add3A_1377 = arith.addf %add3A_1368, %mul3A_1376 : vector<128x128xf32>
    %get3A_1378 = arith.constant 5 : index
    %get3A_1379 = arith.constant 3 : index
    %get3A_1380 = arith.constant 0 : index
    %get3A_1381 = arith.constant 0 : index
    %get3A_1382 = vector.load %arg5[%get3A_1378, %get3A_1379, %get3A_1380, %get3A_1381] : memref<8x6x128x128xbf16, #tpu.memory_space<vmem>>, vector<1x1x128x128xbf16>
    %get3A_1383 = vector.shape_cast %get3A_1382 : vector<1x1x128x128xbf16> to vector<128x128xbf16>
    %convert_element_type3A_1384 = arith.extf %get3A_1383 : vector<128x128xbf16> to vector<128x128xf32>
    %mul3A_1385 = arith.mulf %convert_element_type3A_704, %convert_element_type3A_1384 : vector<128x128xf32>
    %add3A_1386 = arith.addf %add3A_1377, %mul3A_1385 : vector<128x128xf32>
    %get3A_1387 = arith.constant 5 : index
    %get3A_1388 = arith.constant 4 : index
    %get3A_1389 = arith.constant 0 : index
    %get3A_1390 = arith.constant 0 : index
    %get3A_1391 = vector.load %arg5[%get3A_1387, %get3A_1388, %get3A_1389, %get3A_1390] : memref<8x6x128x128xbf16, #tpu.memory_space<vmem>>, vector<1x1x128x128xbf16>
    %get3A_1392 = vector.shape_cast %get3A_1391 : vector<1x1x128x128xbf16> to vector<128x128xbf16>
    %convert_element_type3A_1393 = arith.extf %get3A_1392 : vector<128x128xbf16> to vector<128x128xf32>
    %mul3A_1394 = arith.mulf %convert_element_type3A_881, %convert_element_type3A_1393 : vector<128x128xf32>
    %add3A_1395 = arith.addf %add3A_1386, %mul3A_1394 : vector<128x128xf32>
    %get3A_1396 = arith.constant 5 : index
    %get3A_1397 = arith.constant 5 : index
    %get3A_1398 = arith.constant 0 : index
    %get3A_1399 = arith.constant 0 : index
    %get3A_1400 = vector.load %arg5[%get3A_1396, %get3A_1397, %get3A_1398, %get3A_1399] : memref<8x6x128x128xbf16, #tpu.memory_space<vmem>>, vector<1x1x128x128xbf16>
    %get3A_1401 = vector.shape_cast %get3A_1400 : vector<1x1x128x128xbf16> to vector<128x128xbf16>
    %convert_element_type3A_1402 = arith.extf %get3A_1401 : vector<128x128xbf16> to vector<128x128xf32>
    %mul3A_1403 = arith.mulf %convert_element_type3A_1058, %convert_element_type3A_1402 : vector<128x128xf32>
    %add3A_1404 = arith.addf %add3A_1395, %mul3A_1403 : vector<128x128xf32>
    %reduce_sum3A_1405 = vector.shape_cast %add3A_1404 : vector<128x128xf32> to vector<1x128x128xf32>
    %reduce_sum3A_1406 = arith.constant dense<0.000000e+00> : vector<1xf32>
    %reduce_sum3A_1407 = vector.multi_reduction <add>, %reduce_sum3A_1405, %reduce_sum3A_1406 [1, 2] : vector<1x128x128xf32> to vector<1xf32>
    %reduce_sum3A_1408 = vector.shape_cast %reduce_sum3A_1407 : vector<1xf32> to vector<1x1x1xf32>
    %reduce_sum3A_1409 = vector.extract %reduce_sum3A_1408[0, 0, 0] : f32 from vector<1x1x1xf32>
    %reshape3A_1410 = vector.broadcast %reduce_sum3A_1409 : f32 to vector<1x1xf32>
    %get3A_1411 = arith.constant 6 : index
    %get3A_1412 = arith.constant 0 : index
    %get3A_1413 = arith.constant 0 : index
    %get3A_1414 = arith.constant 0 : index
    %get3A_1415 = vector.load %arg5[%get3A_1411, %get3A_1412, %get3A_1413, %get3A_1414] : memref<8x6x128x128xbf16, #tpu.memory_space<vmem>>, vector<1x1x128x128xbf16>
    %get3A_1416 = vector.shape_cast %get3A_1415 : vector<1x1x128x128xbf16> to vector<128x128xbf16>
    %convert_element_type3A_1417 = arith.extf %get3A_1416 : vector<128x128xbf16> to vector<128x128xf32>
    %mul3A_1418 = arith.mulf %convert_element_type3A_173, %convert_element_type3A_1417 : vector<128x128xf32>
    %get3A_1419 = arith.constant 6 : index
    %get3A_1420 = arith.constant 1 : index
    %get3A_1421 = arith.constant 0 : index
    %get3A_1422 = arith.constant 0 : index
    %get3A_1423 = vector.load %arg5[%get3A_1419, %get3A_1420, %get3A_1421, %get3A_1422] : memref<8x6x128x128xbf16, #tpu.memory_space<vmem>>, vector<1x1x128x128xbf16>
    %get3A_1424 = vector.shape_cast %get3A_1423 : vector<1x1x128x128xbf16> to vector<128x128xbf16>
    %convert_element_type3A_1425 = arith.extf %get3A_1424 : vector<128x128xbf16> to vector<128x128xf32>
    %mul3A_1426 = arith.mulf %convert_element_type3A_350, %convert_element_type3A_1425 : vector<128x128xf32>
    %add3A_1427 = arith.addf %mul3A_1418, %mul3A_1426 : vector<128x128xf32>
    %get3A_1428 = arith.constant 6 : index
    %get3A_1429 = arith.constant 2 : index
    %get3A_1430 = arith.constant 0 : index
    %get3A_1431 = arith.constant 0 : index
    %get3A_1432 = vector.load %arg5[%get3A_1428, %get3A_1429, %get3A_1430, %get3A_1431] : memref<8x6x128x128xbf16, #tpu.memory_space<vmem>>, vector<1x1x128x128xbf16>
    %get3A_1433 = vector.shape_cast %get3A_1432 : vector<1x1x128x128xbf16> to vector<128x128xbf16>
    %convert_element_type3A_1434 = arith.extf %get3A_1433 : vector<128x128xbf16> to vector<128x128xf32>
    %mul3A_1435 = arith.mulf %convert_element_type3A_527, %convert_element_type3A_1434 : vector<128x128xf32>
    %add3A_1436 = arith.addf %add3A_1427, %mul3A_1435 : vector<128x128xf32>
    %get3A_1437 = arith.constant 6 : index
    %get3A_1438 = arith.constant 3 : index
    %get3A_1439 = arith.constant 0 : index
    %get3A_1440 = arith.constant 0 : index
    %get3A_1441 = vector.load %arg5[%get3A_1437, %get3A_1438, %get3A_1439, %get3A_1440] : memref<8x6x128x128xbf16, #tpu.memory_space<vmem>>, vector<1x1x128x128xbf16>
    %get3A_1442 = vector.shape_cast %get3A_1441 : vector<1x1x128x128xbf16> to vector<128x128xbf16>
    %convert_element_type3A_1443 = arith.extf %get3A_1442 : vector<128x128xbf16> to vector<128x128xf32>
    %mul3A_1444 = arith.mulf %convert_element_type3A_704, %convert_element_type3A_1443 : vector<128x128xf32>
    %add3A_1445 = arith.addf %add3A_1436, %mul3A_1444 : vector<128x128xf32>
    %get3A_1446 = arith.constant 6 : index
    %get3A_1447 = arith.constant 4 : index
    %get3A_1448 = arith.constant 0 : index
    %get3A_1449 = arith.constant 0 : index
    %get3A_1450 = vector.load %arg5[%get3A_1446, %get3A_1447, %get3A_1448, %get3A_1449] : memref<8x6x128x128xbf16, #tpu.memory_space<vmem>>, vector<1x1x128x128xbf16>
    %get3A_1451 = vector.shape_cast %get3A_1450 : vector<1x1x128x128xbf16> to vector<128x128xbf16>
    %convert_element_type3A_1452 = arith.extf %get3A_1451 : vector<128x128xbf16> to vector<128x128xf32>
    %mul3A_1453 = arith.mulf %convert_element_type3A_881, %convert_element_type3A_1452 : vector<128x128xf32>
    %add3A_1454 = arith.addf %add3A_1445, %mul3A_1453 : vector<128x128xf32>
    %get3A_1455 = arith.constant 6 : index
    %get3A_1456 = arith.constant 5 : index
    %get3A_1457 = arith.constant 0 : index
    %get3A_1458 = arith.constant 0 : index
    %get3A_1459 = vector.load %arg5[%get3A_1455, %get3A_1456, %get3A_1457, %get3A_1458] : memref<8x6x128x128xbf16, #tpu.memory_space<vmem>>, vector<1x1x128x128xbf16>
    %get3A_1460 = vector.shape_cast %get3A_1459 : vector<1x1x128x128xbf16> to vector<128x128xbf16>
    %convert_element_type3A_1461 = arith.extf %get3A_1460 : vector<128x128xbf16> to vector<128x128xf32>
    %mul3A_1462 = arith.mulf %convert_element_type3A_1058, %convert_element_type3A_1461 : vector<128x128xf32>
    %add3A_1463 = arith.addf %add3A_1454, %mul3A_1462 : vector<128x128xf32>
    %reduce_sum3A_1464 = vector.shape_cast %add3A_1463 : vector<128x128xf32> to vector<1x128x128xf32>
    %reduce_sum3A_1465 = arith.constant dense<0.000000e+00> : vector<1xf32>
    %reduce_sum3A_1466 = vector.multi_reduction <add>, %reduce_sum3A_1464, %reduce_sum3A_1465 [1, 2] : vector<1x128x128xf32> to vector<1xf32>
    %reduce_sum3A_1467 = vector.shape_cast %reduce_sum3A_1466 : vector<1xf32> to vector<1x1x1xf32>
    %reduce_sum3A_1468 = vector.extract %reduce_sum3A_1467[0, 0, 0] : f32 from vector<1x1x1xf32>
    %reshape3A_1469 = vector.broadcast %reduce_sum3A_1468 : f32 to vector<1x1xf32>
    %get3A_1470 = arith.constant 7 : index
    %get3A_1471 = arith.constant 0 : index
    %get3A_1472 = arith.constant 0 : index
    %get3A_1473 = arith.constant 0 : index
    %get3A_1474 = vector.load %arg5[%get3A_1470, %get3A_1471, %get3A_1472, %get3A_1473] : memref<8x6x128x128xbf16, #tpu.memory_space<vmem>>, vector<1x1x128x128xbf16>
    %get3A_1475 = vector.shape_cast %get3A_1474 : vector<1x1x128x128xbf16> to vector<128x128xbf16>
    %convert_element_type3A_1476 = arith.extf %get3A_1475 : vector<128x128xbf16> to vector<128x128xf32>
    %mul3A_1477 = arith.mulf %convert_element_type3A_173, %convert_element_type3A_1476 : vector<128x128xf32>
    %get3A_1478 = arith.constant 7 : index
    %get3A_1479 = arith.constant 1 : index
    %get3A_1480 = arith.constant 0 : index
    %get3A_1481 = arith.constant 0 : index
    %get3A_1482 = vector.load %arg5[%get3A_1478, %get3A_1479, %get3A_1480, %get3A_1481] : memref<8x6x128x128xbf16, #tpu.memory_space<vmem>>, vector<1x1x128x128xbf16>
    %get3A_1483 = vector.shape_cast %get3A_1482 : vector<1x1x128x128xbf16> to vector<128x128xbf16>
    %convert_element_type3A_1484 = arith.extf %get3A_1483 : vector<128x128xbf16> to vector<128x128xf32>
    %mul3A_1485 = arith.mulf %convert_element_type3A_350, %convert_element_type3A_1484 : vector<128x128xf32>
    %add3A_1486 = arith.addf %mul3A_1477, %mul3A_1485 : vector<128x128xf32>
    %get3A_1487 = arith.constant 7 : index
    %get3A_1488 = arith.constant 2 : index
    %get3A_1489 = arith.constant 0 : index
    %get3A_1490 = arith.constant 0 : index
    %get3A_1491 = vector.load %arg5[%get3A_1487, %get3A_1488, %get3A_1489, %get3A_1490] : memref<8x6x128x128xbf16, #tpu.memory_space<vmem>>, vector<1x1x128x128xbf16>
    %get3A_1492 = vector.shape_cast %get3A_1491 : vector<1x1x128x128xbf16> to vector<128x128xbf16>
    %convert_element_type3A_1493 = arith.extf %get3A_1492 : vector<128x128xbf16> to vector<128x128xf32>
    %mul3A_1494 = arith.mulf %convert_element_type3A_527, %convert_element_type3A_1493 : vector<128x128xf32>
    %add3A_1495 = arith.addf %add3A_1486, %mul3A_1494 : vector<128x128xf32>
    %get3A_1496 = arith.constant 7 : index
    %get3A_1497 = arith.constant 3 : index
    %get3A_1498 = arith.constant 0 : index
    %get3A_1499 = arith.constant 0 : index
    %get3A_1500 = vector.load %arg5[%get3A_1496, %get3A_1497, %get3A_1498, %get3A_1499] : memref<8x6x128x128xbf16, #tpu.memory_space<vmem>>, vector<1x1x128x128xbf16>
    %get3A_1501 = vector.shape_cast %get3A_1500 : vector<1x1x128x128xbf16> to vector<128x128xbf16>
    %convert_element_type3A_1502 = arith.extf %get3A_1501 : vector<128x128xbf16> to vector<128x128xf32>
    %mul3A_1503 = arith.mulf %convert_element_type3A_704, %convert_element_type3A_1502 : vector<128x128xf32>
    %add3A_1504 = arith.addf %add3A_1495, %mul3A_1503 : vector<128x128xf32>
    %get3A_1505 = arith.constant 7 : index
    %get3A_1506 = arith.constant 4 : index
    %get3A_1507 = arith.constant 0 : index
    %get3A_1508 = arith.constant 0 : index
    %get3A_1509 = vector.load %arg5[%get3A_1505, %get3A_1506, %get3A_1507, %get3A_1508] : memref<8x6x128x128xbf16, #tpu.memory_space<vmem>>, vector<1x1x128x128xbf16>
    %get3A_1510 = vector.shape_cast %get3A_1509 : vector<1x1x128x128xbf16> to vector<128x128xbf16>
    %convert_element_type3A_1511 = arith.extf %get3A_1510 : vector<128x128xbf16> to vector<128x128xf32>
    %mul3A_1512 = arith.mulf %convert_element_type3A_881, %convert_element_type3A_1511 : vector<128x128xf32>
    %add3A_1513 = arith.addf %add3A_1504, %mul3A_1512 : vector<128x128xf32>
    %get3A_1514 = arith.constant 7 : index
    %get3A_1515 = arith.constant 5 : index
    %get3A_1516 = arith.constant 0 : index
    %get3A_1517 = arith.constant 0 : index
    %get3A_1518 = vector.load %arg5[%get3A_1514, %get3A_1515, %get3A_1516, %get3A_1517] : memref<8x6x128x128xbf16, #tpu.memory_space<vmem>>, vector<1x1x128x128xbf16>
    %get3A_1519 = vector.shape_cast %get3A_1518 : vector<1x1x128x128xbf16> to vector<128x128xbf16>
    %convert_element_type3A_1520 = arith.extf %get3A_1519 : vector<128x128xbf16> to vector<128x128xf32>
    %mul3A_1521 = arith.mulf %convert_element_type3A_1058, %convert_element_type3A_1520 : vector<128x128xf32>
    %add3A_1522 = arith.addf %add3A_1513, %mul3A_1521 : vector<128x128xf32>
    %reduce_sum3A_1523 = vector.shape_cast %add3A_1522 : vector<128x128xf32> to vector<1x128x128xf32>
    %reduce_sum3A_1524 = arith.constant dense<0.000000e+00> : vector<1xf32>
    %reduce_sum3A_1525 = vector.multi_reduction <add>, %reduce_sum3A_1523, %reduce_sum3A_1524 [1, 2] : vector<1x128x128xf32> to vector<1xf32>
    %reduce_sum3A_1526 = vector.shape_cast %reduce_sum3A_1525 : vector<1xf32> to vector<1x1x1xf32>
    %reduce_sum3A_1527 = vector.extract %reduce_sum3A_1526[0, 0, 0] : f32 from vector<1x1x1xf32>
    %reshape3A_1528 = vector.broadcast %reduce_sum3A_1527 : f32 to vector<1x1xf32>
    %concatenate3A_1529 = tpu.concatenate %reshape3A, %reshape3A_1174, %reshape3A_1233, %reshape3A_1292, %reshape3A_1351, %reshape3A_1410, %reshape3A_1469, %reshape3A_1528 in 0 : vector<1x1xf32>, vector<1x1xf32>, vector<1x1xf32>, vector<1x1xf32>, vector<1x1xf32>, vector<1x1xf32>, vector<1x1xf32>, vector<1x1xf32> -> vector<8x1xf32>
    %iota3A = tpu.iota {dimensions = array<i32: 1>} : vector<8x16xi32>
    %eq3A = vector.broadcast %arg0 : i32 to vector<8x16xi32>
    %eq3A_1530 = arith.cmpi eq, %iota3A, %eq3A : vector<8x16xi32>
    %get3A_1531 = arith.constant 0 : index
    %get3A_1532 = arith.constant 0 : index
    %get3A_1533 = vector.load %arg7[%get3A_1531, %get3A_1532] : memref<8x16xf32, #tpu.memory_space<vmem>>, vector<8x16xf32>
    %broadcast_in_dim3A = vector.shape_cast %concatenate3A_1529 : vector<8x1xf32> to vector<8x1xf32>
    %broadcast_in_dim3A_1534 = vector.broadcast %broadcast_in_dim3A : vector<8x1xf32> to vector<8x16xf32>
    %select_n3A = arith.select %eq3A_1530, %broadcast_in_dim3A_1534, %get3A_1533 : vector<8x16xi1>, vector<8x16xf32>
    %swap3A_1535 = arith.constant 0 : index
    %swap3A_1536 = arith.constant 0 : index
    %swap3A_1537 = vector.load %arg7[%swap3A_1535, %swap3A_1536] : memref<8x16xf32, #tpu.memory_space<vmem>>, vector<8x16xf32>
    tpu.vector_store %arg7[%swap3A_1535, %swap3A_1536], %select_n3A {strides = array<i32>} : memref<8x16xf32, #tpu.memory_space<vmem>>, vector<8x16xf32>,
    return
  }
  func.func @transform_0(%arg0: i32) -> (i32, i32, i32, i32) {
    %c0_i32 = arith.constant 0 : i32
    %c0_i32_0 = arith.constant 0 : i32
    %c0_i32_1 = arith.constant 0 : i32
    %c0_i32_2 = arith.constant 0 : i32
    return %arg0, %c0_i32, %c0_i32_0, %c0_i32_1 : i32, i32, i32, i32
  }
  func.func @transform_1(%arg0: i32) -> (i32, i32, i32, i32) {
    %c0_i32 = arith.constant 0 : i32
    %c0_i32_0 = arith.constant 0 : i32
    %c0_i32_1 = arith.constant 0 : i32
    %c0_i32_2 = arith.constant 0 : i32
    return %arg0, %c0_i32, %c0_i32_0, %c0_i32_1 : i32, i32, i32, i32
  }
  func.func @transform_2(%arg0: i32) -> (i32, i32) {
    %c0_i32 = arith.constant 0 : i32
    %c0_i32_0 = arith.constant 0 : i32
    %c0_i32_1 = arith.constant 0 : i32
    return %c0_i32, %c0_i32_0 : i32, i32
  }
  func.func @transform_3(%arg0: i32) -> (i32, i32) {
    %c0_i32 = arith.constant 0 : i32
    %c0_i32_0 = arith.constant 0 : i32
    %c0_i32_1 = arith.constant 0 : i32
    return %c0_i32, %c0_i32_0 : i32, i32
  }
  func.func @transform_4(%arg0: i32) -> (i32, i32, i32, i32) {
    %c0_i32 = arith.constant 0 : i32
    %c0_i32_0 = arith.constant 0 : i32
    %c0_i32_1 = arith.constant 0 : i32
    %c0_i32_2 = arith.constant 0 : i32
    %c0_i32_3 = arith.constant 0 : i32
    return %c0_i32, %c0_i32_0, %c0_i32_1, %c0_i32_2 : i32, i32, i32, i32
  }
  func.func @transform_5(%arg0: i32) -> (i32, i32, i32, i32) {
    %c0_i32 = arith.constant 0 : i32
    %c0_i32_0 = arith.constant 0 : i32
    %c0_i32_1 = arith.constant 0 : i32
    %c0_i32_2 = arith.constant 0 : i32
    return %arg0, %c0_i32, %c0_i32_0, %c0_i32_1 : i32, i32, i32, i32
  }
  func.func @transform_6(%arg0: i32) -> (i32, i32) {
    %c0_i32 = arith.constant 0 : i32
    %c0_i32_0 = arith.constant 0 : i32
    %c0_i32_1 = arith.constant 0 : i32
    return %c0_i32, %c0_i32_0 : i32, i32
  }
}

module attributes {stable_mosaic.version = 14 : i64} {
  func.func @_combine_body(%arg0: i32, %arg1: memref<2x16xi32, #tpu.memory_space<smem>>, %arg2: memref<2x16xi32, #tpu.memory_space<vmem>>, %arg3: memref<1x6x128x128xf32, #tpu.memory_space<vmem>>, %arg4: memref<1x16x6xf32, #tpu.memory_space<vmem>>, %arg5: memref<1x16x6xf32, #tpu.memory_space<vmem>>, %arg6: memref<2x16xf32, #tpu.memory_space<vmem>>, %arg7: memref<1x16x128x128xf32, #tpu.memory_space<vmem>>, %arg8: memref<1x1xf32, #tpu.memory_space<vmem>>) attributes {dimension_semantics = [#tpu.dimension_semantics<arbitrary>], iteration_bounds = array<i64: 16>, scalar_prefetch = 1 : i64, scratch_operands = 0 : i64, tpu.core_type = #tpu.core_type<tc>, window_params = [{pipeline_mode = #tpu.pipeline_mode<synchronous>, transform_indices = @transform_0, window_bounds = array<i64: 2, 16>}, {transform_indices = @transform_1, window_bounds = array<i64: 1, 6, 128, 128>}, {transform_indices = @transform_2, window_bounds = array<i64: 1, 16, 6>}, {transform_indices = @transform_3, window_bounds = array<i64: 1, 16, 6>}, {pipeline_mode = #tpu.pipeline_mode<synchronous>, transform_indices = @transform_4, window_bounds = array<i64: 2, 16>}, {transform_indices = @transform_5, window_bounds = array<i64: 1, 16, 128, 128>}, {pipeline_mode = #tpu.pipeline_mode<synchronous>, transform_indices = @transform_6, window_bounds = array<i64: 1, 1>}]} {
    %eq3A = arith.constant 0 : i32
    %eq3A_0 = arith.cmpi eq, %arg0, %eq3A : i32
    %convert_element_type3A = arith.extui %eq3A_0 : i1 to i32
    %cond3A = arith.constant 0 : i32
    %cond3A_1 = arith.cmpi ne, %convert_element_type3A, %cond3A : i32
    scf.if %cond3A_1 {
      %iota3A_51 = tpu.iota {dimensions = array<i32: 0>} : vector<8x16xi32>
      %get3A_52 = arith.constant 0 : index
      %get3A_53 = arith.constant 0 : index
      %get3A_54 = vector.load %arg2[%get3A_52, %get3A_53] : memref<2x16xi32, #tpu.memory_space<vmem>>, vector<2x16xi32>
      %get3A_55 = arith.constant 0 : index
      %get3A_56 = arith.constant 0 : index
      %get3A_57 = vector.load %arg6[%get3A_55, %get3A_56] : memref<2x16xf32, #tpu.memory_space<vmem>>, vector<2x16xf32>
      %slice3A_58 = vector.extract_strided_slice %get3A_54 {offsets = [0, 0], sizes = [1, 16], strides = [1, 1]} : vector<2x16xi32> to vector<1x16xi32>
      %eq3A_59 = vector.broadcast %slice3A_58 : vector<1x16xi32> to vector<8x16xi32>
      %eq3A_60 = arith.cmpi eq, %iota3A_51, %eq3A_59 : vector<8x16xi32>
      %slice3A_61 = vector.extract_strided_slice %get3A_57 {offsets = [0, 0], sizes = [1, 16], strides = [1, 1]} : vector<2x16xf32> to vector<1x16xf32>
      %jit3A_62 = arith.constant 0.000000e+00 : f32
      %broadcast_in_dim3A_63 = vector.shape_cast %slice3A_61 : vector<1x16xf32> to vector<1x16xf32>
      %broadcast_in_dim3A_64 = vector.broadcast %broadcast_in_dim3A_63 : vector<1x16xf32> to vector<8x16xf32>
      %broadcast_in_dim3A_65 = vector.broadcast %jit3A_62 : f32 to vector<8x16xf32>
      %select_n3A_66 = arith.select %eq3A_60, %broadcast_in_dim3A_64, %broadcast_in_dim3A_65 : vector<8x16xi1>, vector<8x16xf32>
      %slice3A_67 = vector.extract_strided_slice %get3A_54 {offsets = [1, 0], sizes = [1, 16], strides = [1, 1]} : vector<2x16xi32> to vector<1x16xi32>
      %eq3A_68 = vector.broadcast %slice3A_67 : vector<1x16xi32> to vector<8x16xi32>
      %eq3A_69 = arith.cmpi eq, %iota3A_51, %eq3A_68 : vector<8x16xi32>
      %slice3A_70 = vector.extract_strided_slice %get3A_57 {offsets = [1, 0], sizes = [1, 16], strides = [1, 1]} : vector<2x16xf32> to vector<1x16xf32>
      %jit3A_71 = arith.constant 0.000000e+00 : f32
      %broadcast_in_dim3A_72 = vector.shape_cast %slice3A_70 : vector<1x16xf32> to vector<1x16xf32>
      %broadcast_in_dim3A_73 = vector.broadcast %broadcast_in_dim3A_72 : vector<1x16xf32> to vector<8x16xf32>
      %broadcast_in_dim3A_74 = vector.broadcast %jit3A_71 : f32 to vector<8x16xf32>
      %select_n3A_75 = arith.select %eq3A_69, %broadcast_in_dim3A_73, %broadcast_in_dim3A_74 : vector<8x16xi1>, vector<8x16xf32>
      %add3A_76 = arith.addf %select_n3A_66, %select_n3A_75 : vector<8x16xf32>
      %reduce_sum3A_77 = arith.constant dense<0.000000e+00> : vector<8xf32>
      %reduce_sum3A_78 = vector.multi_reduction <add>, %add3A_76, %reduce_sum3A_77 [1] : vector<8x16xf32> to vector<8xf32>
      %gt3A = arith.constant 0.000000e+00 : f32
      %gt3A_79 = vector.broadcast %gt3A : f32 to vector<8x16xf32>
      %gt3A_80 = arith.cmpf ogt, %add3A_76, %gt3A_79 : vector<8x16xf32>
      %convert_element_type3A_81 = arith.extui %gt3A_80 : vector<8x16xi1> to vector<8x16xi32>
      %convert_element_type3A_82 = arith.sitofp %convert_element_type3A_81 : vector<8x16xi32> to vector<8x16xf32>
      %reduce_sum3A_83 = arith.constant dense<0.000000e+00> : vector<8xf32>
      %reduce_sum3A_84 = vector.multi_reduction <add>, %convert_element_type3A_82, %reduce_sum3A_83 [1] : vector<8x16xf32> to vector<8xf32>
      %reduce_sum3A_85 = vector.shape_cast %reduce_sum3A_78 : vector<8xf32> to vector<1x8xf32>
      %reduce_sum3A_86 = arith.constant dense<0.000000e+00> : vector<1xf32>
      %reduce_sum3A_87 = vector.multi_reduction <add>, %reduce_sum3A_85, %reduce_sum3A_86 [1] : vector<1x8xf32> to vector<1xf32>
      %reduce_sum3A_88 = vector.shape_cast %reduce_sum3A_87 : vector<1xf32> to vector<1x1xf32>
      %reduce_sum3A_89 = vector.extract %reduce_sum3A_88[0, 0] : f32 from vector<1x1xf32>
      %div3A = arith.constant 8.000000e+00 : f32
      %div3A_90 = arith.divf %reduce_sum3A_89, %div3A : f32
      %sub3A = vector.broadcast %div3A_90 : f32 to vector<8xf32>
      %sub3A_91 = arith.subf %reduce_sum3A_78, %sub3A : vector<8xf32>
      %integer_pow3A = arith.mulf %sub3A_91, %sub3A_91 : vector<8xf32>
      %reduce_sum3A_92 = vector.shape_cast %integer_pow3A : vector<8xf32> to vector<1x8xf32>
      %reduce_sum3A_93 = arith.constant dense<0.000000e+00> : vector<1xf32>
      %reduce_sum3A_94 = vector.multi_reduction <add>, %reduce_sum3A_92, %reduce_sum3A_93 [1] : vector<1x8xf32> to vector<1xf32>
      %reduce_sum3A_95 = vector.shape_cast %reduce_sum3A_94 : vector<1xf32> to vector<1x1xf32>
      %reduce_sum3A_96 = vector.extract %reduce_sum3A_95[0, 0] : f32 from vector<1x1xf32>
      %div3A_97 = arith.constant 7.000000e+00 : f32
      %div3A_98 = arith.divf %reduce_sum3A_96, %div3A_97 : f32
      %mul3A_99 = arith.mulf %div3A_90, %div3A_90 : f32
      %add3A_100 = arith.constant 1.000000e-10 : f32
      %add3A_101 = arith.addf %mul3A_99, %add3A_100 : f32
      %div3A_102 = arith.divf %div3A_98, %add3A_101 : f32
      %reduce_sum3A_103 = vector.shape_cast %reduce_sum3A_84 : vector<8xf32> to vector<1x8xf32>
      %reduce_sum3A_104 = arith.constant dense<0.000000e+00> : vector<1xf32>
      %reduce_sum3A_105 = vector.multi_reduction <add>, %reduce_sum3A_103, %reduce_sum3A_104 [1] : vector<1x8xf32> to vector<1xf32>
      %reduce_sum3A_106 = vector.shape_cast %reduce_sum3A_105 : vector<1xf32> to vector<1x1xf32>
      %reduce_sum3A_107 = vector.extract %reduce_sum3A_106[0, 0] : f32 from vector<1x1xf32>
      %div3A_108 = arith.constant 8.000000e+00 : f32
      %div3A_109 = arith.divf %reduce_sum3A_107, %div3A_108 : f32
      %sub3A_110 = vector.broadcast %div3A_109 : f32 to vector<8xf32>
      %sub3A_111 = arith.subf %reduce_sum3A_84, %sub3A_110 : vector<8xf32>
      %integer_pow3A_112 = arith.mulf %sub3A_111, %sub3A_111 : vector<8xf32>
      %reduce_sum3A_113 = vector.shape_cast %integer_pow3A_112 : vector<8xf32> to vector<1x8xf32>
      %reduce_sum3A_114 = arith.constant dense<0.000000e+00> : vector<1xf32>
      %reduce_sum3A_115 = vector.multi_reduction <add>, %reduce_sum3A_113, %reduce_sum3A_114 [1] : vector<1x8xf32> to vector<1xf32>
      %reduce_sum3A_116 = vector.shape_cast %reduce_sum3A_115 : vector<1xf32> to vector<1x1xf32>
      %reduce_sum3A_117 = vector.extract %reduce_sum3A_116[0, 0] : f32 from vector<1x1xf32>
      %div3A_118 = arith.constant 7.000000e+00 : f32
      %div3A_119 = arith.divf %reduce_sum3A_117, %div3A_118 : f32
      %mul3A_120 = arith.mulf %div3A_109, %div3A_109 : f32
      %add3A_121 = arith.constant 1.000000e-10 : f32
      %add3A_122 = arith.addf %mul3A_120, %add3A_121 : f32
      %div3A_123 = arith.divf %div3A_119, %add3A_122 : f32
      %add3A_124 = arith.addf %div3A_102, %div3A_123 : f32
      %mul3A_125 = arith.constant 0.00999999977 : f32
      %mul3A_126 = arith.mulf %add3A_124, %mul3A_125 : f32
      %reshape3A_127 = vector.broadcast %mul3A_126 : f32 to vector<1x1xf32>
      %swap3A_128 = arith.constant 0 : index
      %swap3A_129 = arith.constant 0 : index
      %swap3A_130 = vector.load %arg8[%swap3A_128, %swap3A_129] : memref<1x1xf32, #tpu.memory_space<vmem>>, vector<1x1xf32>
      tpu.vector_store %arg8[%swap3A_128, %swap3A_129], %reshape3A_127 {strides = array<i32>} : memref<1x1xf32, #tpu.memory_space<vmem>>, vector<1x1xf32>,
    } else {
    }
    %get3A = arith.constant 0 : index
    %get3A_2 = arith.constant 0 : index
    %get3A_3 = arith.constant 0 : index
    %get3A_4 = arith.constant 0 : index
    %get3A_5 = vector.load %arg3[%get3A, %get3A_2, %get3A_3, %get3A_4] : memref<1x6x128x128xf32, #tpu.memory_space<vmem>>, vector<1x6x128x128xf32>
    %get3A_6 = vector.shape_cast %get3A_5 : vector<1x6x128x128xf32> to vector<6x128x128xf32>
    %reshape3A = vector.shape_cast %get3A_6 : vector<6x128x128xf32> to vector<6x16384xf32>
    %get3A_7 = arith.constant 0 : index
    %get3A_8 = arith.constant 0 : index
    %get3A_9 = arith.constant 0 : index
    %get3A_10 = vector.load %arg4[%get3A_7, %get3A_8, %get3A_9] : memref<1x16x6xf32, #tpu.memory_space<vmem>>, vector<1x16x6xf32>
    %get3A_11 = vector.shape_cast %get3A_10 : vector<1x16x6xf32> to vector<16x6xf32>
    %dot_general3A = arith.constant dense<0.000000e+00> : vector<16x16384xf32>
    %dot_general3A_12 = tpu.matmul %get3A_11, %reshape3A, %dot_general3A {dimension_numbers = #tpu.dot_dimension_numbers<[1], [0], [0], [1], [0, 0, 1, 1], [], []>, transpose_lhs_hint = false} : vector<16x6xf32>, vector<6x16384xf32>, vector<16x16384xf32> -> vector<16x16384xf32>
    %get3A_13 = arith.constant 0 : index
    %get3A_14 = arith.constant 0 : index
    %get3A_15 = arith.constant 0 : index
    %get3A_16 = vector.load %arg5[%get3A_13, %get3A_14, %get3A_15] : memref<1x16x6xf32, #tpu.memory_space<vmem>>, vector<1x16x6xf32>
    %get3A_17 = vector.shape_cast %get3A_16 : vector<1x16x6xf32> to vector<16x6xf32>
    %dot_general3A_18 = arith.constant dense<0.000000e+00> : vector<16x16384xf32>
    %dot_general3A_19 = tpu.matmul %get3A_17, %reshape3A, %dot_general3A_18 {dimension_numbers = #tpu.dot_dimension_numbers<[1], [0], [0], [1], [0, 0, 1, 1], [], []>, transpose_lhs_hint = false} : vector<16x6xf32>, vector<6x16384xf32>, vector<16x16384xf32> -> vector<16x16384xf32>
    %exp3A = math.exp %dot_general3A_12 : vector<16x16384xf32>
    %convert_element_type3A_20 = arith.truncf %exp3A : vector<16x16384xf32> to vector<16x16384xbf16>
    %convert_element_type3A_21 = arith.extf %convert_element_type3A_20 : vector<16x16384xbf16> to vector<16x16384xf32>
    %exp3A_22 = math.exp %dot_general3A_19 : vector<16x16384xf32>
    %convert_element_type3A_23 = arith.truncf %exp3A_22 : vector<16x16384xf32> to vector<16x16384xbf16>
    %convert_element_type3A_24 = arith.extf %convert_element_type3A_23 : vector<16x16384xbf16> to vector<16x16384xf32>
    %iota3A = tpu.iota {dimensions = array<i32: 1>} : vector<2x16xi32>
    %eq3A_25 = vector.broadcast %arg0 : i32 to vector<2x16xi32>
    %eq3A_26 = arith.cmpi eq, %iota3A, %eq3A_25 : vector<2x16xi32>
    %convert_element_type3A_27 = arith.extui %eq3A_26 : vector<2x16xi1> to vector<2x16xi32>
    %convert_element_type3A_28 = arith.sitofp %convert_element_type3A_27 : vector<2x16xi32> to vector<2x16xf32>
    %get3A_29 = arith.constant 0 : index
    %get3A_30 = arith.constant 0 : index
    %get3A_31 = vector.load %arg6[%get3A_29, %get3A_30] : memref<2x16xf32, #tpu.memory_space<vmem>>, vector<2x16xf32>
    %convert_element_type3A_32 = arith.truncf %get3A_31 : vector<2x16xf32> to vector<2x16xbf16>
    %convert_element_type3A_33 = arith.extf %convert_element_type3A_32 : vector<2x16xbf16> to vector<2x16xf32>
    %mul3A = arith.mulf %convert_element_type3A_33, %convert_element_type3A_28 : vector<2x16xf32>
    %reduce_sum3A = arith.constant dense<0.000000e+00> : vector<2xf32>
    %reduce_sum3A_34 = vector.multi_reduction <add>, %mul3A, %reduce_sum3A [1] : vector<2x16xf32> to vector<2xf32>
    %broadcast_in_dim3A = vector.shape_cast %reduce_sum3A_34 : vector<2xf32> to vector<2x1xf32>
    %slice3A = vector.extract_strided_slice %broadcast_in_dim3A {offsets = [0, 0], sizes = [1, 1], strides = [1, 1]} : vector<2x1xf32> to vector<1x1xf32>
    %mul3A_35 = vector.broadcast %slice3A : vector<1x1xf32> to vector<16x16384xf32>
    %mul3A_36 = arith.mulf %convert_element_type3A_21, %mul3A_35 : vector<16x16384xf32>
    %slice3A_37 = vector.extract_strided_slice %broadcast_in_dim3A {offsets = [1, 0], sizes = [1, 1], strides = [1, 1]} : vector<2x1xf32> to vector<1x1xf32>
    %mul3A_38 = vector.broadcast %slice3A_37 : vector<1x1xf32> to vector<16x16384xf32>
    %mul3A_39 = arith.mulf %convert_element_type3A_24, %mul3A_38 : vector<16x16384xf32>
    %add3A = arith.addf %mul3A_36, %mul3A_39 : vector<16x16384xf32>
    %eq3A_40 = arith.constant 0.000000e+00 : f32
    %eq3A_41 = vector.broadcast %eq3A_40 : f32 to vector<16x16384xf32>
    %eq3A_42 = arith.cmpf oeq, %add3A, %eq3A_41 : vector<16x16384xf32>
    %jit3A = arith.constant 2.22044605E-16 : f32
    %broadcast_in_dim3A_43 = vector.broadcast %jit3A : f32 to vector<16x16384xf32>
    %select_n3A = arith.select %eq3A_42, %broadcast_in_dim3A_43, %add3A : vector<16x16384xi1>, vector<16x16384xf32>
    %log3A = math.log %select_n3A : vector<16x16384xf32>
    %reshape3A_44 = vector.shape_cast %log3A : vector<16x16384xf32> to vector<16x128x128xf32>
    %swap3A = arith.constant 0 : index
    %swap3A_45 = arith.constant 0 : index
    %swap3A_46 = arith.constant 0 : index
    %swap3A_47 = arith.constant 0 : index
    %swap3A_48 = vector.load %arg7[%swap3A, %swap3A_45, %swap3A_46, %swap3A_47] : memref<1x16x128x128xf32, #tpu.memory_space<vmem>>, vector<1x16x128x128xf32>
    %swap3A_49 = vector.shape_cast %swap3A_48 : vector<1x16x128x128xf32> to vector<16x128x128xf32>
    %swap3A_50 = vector.shape_cast %reshape3A_44 : vector<16x128x128xf32> to vector<1x16x128x128xf32>
    tpu.vector_store %arg7[%swap3A, %swap3A_45, %swap3A_46, %swap3A_47], %swap3A_50 {strides = array<i32>} : memref<1x16x128x128xf32, #tpu.memory_space<vmem>>, vector<1x16x128x128xf32>,
    return
  }
  func.func @transform_0(%arg0: i32, %arg1: memref<2x16xi32, #tpu.memory_space<smem>>) -> (i32, i32) {
    %c0_i32 = arith.constant 0 : i32
    %c0_i32_0 = arith.constant 0 : i32
    %c0_i32_1 = arith.constant 0 : i32
    return %c0_i32, %c0_i32_0 : i32, i32
  }
  func.func @transform_1(%arg0: i32, %arg1: memref<2x16xi32, #tpu.memory_space<smem>>) -> (i32, i32, i32, i32) {
    %c0_i32 = arith.constant 0 : i32
    %c0_i32_0 = arith.constant 0 : i32
    %c0_i32_1 = arith.constant 0 : i32
    %c0_i32_2 = arith.constant 0 : i32
    return %arg0, %c0_i32, %c0_i32_0, %c0_i32_1 : i32, i32, i32, i32
  }
  func.func @transform_2(%arg0: i32, %arg1: memref<2x16xi32, #tpu.memory_space<smem>>) -> (i32, i32, i32) {
    %get3A = arith.constant 0 : index
    %get3A_0 = arith.index_cast %arg0 : i32 to index
    %get3A_1 = memref.load %arg1[%get3A, %get3A_0] : memref<2x16xi32, #tpu.memory_space<smem>>
    %c0_i32 = arith.constant 0 : i32
    %c0_i32_2 = arith.constant 0 : i32
    %c0_i32_3 = arith.constant 0 : i32
    return %get3A_1, %c0_i32, %c0_i32_2 : i32, i32, i32
  }
  func.func @transform_3(%arg0: i32, %arg1: memref<2x16xi32, #tpu.memory_space<smem>>) -> (i32, i32, i32) {
    %get3A = arith.constant 1 : index
    %get3A_0 = arith.index_cast %arg0 : i32 to index
    %get3A_1 = memref.load %arg1[%get3A, %get3A_0] : memref<2x16xi32, #tpu.memory_space<smem>>
    %c0_i32 = arith.constant 0 : i32
    %c0_i32_2 = arith.constant 0 : i32
    %c0_i32_3 = arith.constant 0 : i32
    return %get3A_1, %c0_i32, %c0_i32_2 : i32, i32, i32
  }
  func.func @transform_4(%arg0: i32, %arg1: memref<2x16xi32, #tpu.memory_space<smem>>) -> (i32, i32) {
    %c0_i32 = arith.constant 0 : i32
    %c0_i32_0 = arith.constant 0 : i32
    %c0_i32_1 = arith.constant 0 : i32
    return %c0_i32, %c0_i32_0 : i32, i32
  }
  func.func @transform_5(%arg0: i32, %arg1: memref<2x16xi32, #tpu.memory_space<smem>>) -> (i32, i32, i32, i32) {
    %c0_i32 = arith.constant 0 : i32
    %c0_i32_0 = arith.constant 0 : i32
    %c0_i32_1 = arith.constant 0 : i32
    %c0_i32_2 = arith.constant 0 : i32
    return %arg0, %c0_i32, %c0_i32_0, %c0_i32_1 : i32, i32, i32, i32
  }
  func.func @transform_6(%arg0: i32, %arg1: memref<2x16xi32, #tpu.memory_space<smem>>) -> (i32, i32) {
    %c0_i32 = arith.constant 0 : i32
    %c0_i32_0 = arith.constant 0 : i32
    %c0_i32_1 = arith.constant 0 : i32
    return %c0_i32, %c0_i32_0 : i32, i32
  }
}

</mosaic_0001>

<sc_bundles>
// kernel: kernel.5.cloned.1.call-start
scs
__scs_entry_jumppad:
0x0: {  	(pc) =	sbr.rel $0x88, $3  }
0x1: {  	(tag) =	ssettag $0x0;
	lr =	simm.s32 $0x1  }
0x2: {  	[smem:$0x3F9D] =	sst lr;
	_ =	strace $0xD0000000  }
0x3: {  	_ = 	snop  }
0x4: {  	_ = 	snop  }
0x5: {  	_ = 	snop  }
0x6: {  	_ = 	snop  }
0x7: {  	_ = 	snop  }
__scs_overlays_trampoline_lowered:
0x8: {  	[smem:$0x3FAC] =	sst s0  }
0x9: {  	[smem:$0x3FAD] =	sst s1  }
0xa: {  	[smem:$0x3FAE] =	sst s2  }
0xb: {  	[smem:$0x3FAF] =	sst s3  }
0xc: {  	[smem:$0x3FB0] =	sst s4  }
0xd: {  	[smem:$0x3FB1] =	sst s5  }
0xe: {  	[smem:$0x3FB2] =	sst s6  }
0xf: {  	[smem:$0x3FB3] =	sst s7  }
0x10: {  	[smem:$0x3FB4] =	sst s8  }
0x11: {  	[smem:$0x3FB5] =	sst s9;
	s0 =	simm.s32 @!p0 $0x0  }
0x12: {  	s1 =	sld [smem:$0x3F9B];
	s0 =	simm.s32 @p0 $0x1  }
0x13: {  	[smem:$0x3FB6] =	sst s0;
	s0 =	simm.s32 @!p1 $0x0  }
0x14: {  	s2 =	sld [smem:$0x3F9A];
	s0 =	simm.s32 @p1 $0x1  }
0x15: {  	[smem:$0x3FB7] =	sst s0;
	s0 =	simm.s32 @!p2 $0x0  }
0x16: {  	s3 =	sld [smem:$0x3FDB];
	s0 =	simm.s32 @p2 $0x1  }
0x17: {  	s4 =	simm.s32 $0x1BF5;
	[smem:$0x3FB9] =	sst s0  }
0x18: {  	s0 =	sld [smem:$0x3F9C];
	_ =	swait.ge [sflag:s4], $0x0  }
0x19: {  	s7 =	sld [smem:$0x3F9D]  }
0x1a: {  	s8 =	sadd.s32 $0xFFFFE003, lr  }
0x1b: {  	s9 =	sadd.s32 $0xFFFFFEF7, lr;
	s5 =	simm.s32 $0xFFFFFFFF;
	p2 =	slt.u32 s8, $0xFFFFF086  }
0x1c: {  	p1 =	slt.u32 s9, $0xF7A;
	s5 =	simm.s32 @!p2 $0x0  }
0x1d: {  	s5 =	simm.s32 @p1 $0x1;
	p0 =	seq.s32 s7, s2  }
0x1e: {  	s7 =	smul.u32 @!p0 $0xF7A, s2;
	p2 =	seq.s32 @!p0 s5, $0x0  }
0x1f: {  	s9 =	smul.u32 $0xF7A, s1;
	s8 =	simm.s32 @!p0 $0x1BF5;
	p2 =	por !p2, p0  }
0x20: {  	[sflag:s8] =	ssyncset.s32 @!p0 $0xFFFFF086;
	s6 =	sadd.s32 @!p0 s3, s7;
	s7 =	simm.s32 @!p0 $0x108  }
0x21: {  	s3 =	sadd.s32 s3, s9;
	s6 =	sadd.s32 @!p0 $0x88, s6;
	s7 =	simm.s32 @p2 $0x1082  }
0x22: {  	[simem:s7], [sflag:s8] =	dma.local @!p0 [hbm:s6], $0xF7A  }
0x23: {  	s9 =	sor.u32 $0xD0000000, s2;
	s6 =	simm.s32 $0x108;
	_ =	swait.ge @!p0 [sflag:s8], $0x0  }
0x24: {  	s3 =	sadd.s32 $0x88, s3;
	s6 =	simm.s32 @!p1 $0x1082;
	[sflag:s4] =	ssyncset.s32 $0xFFFFF086  }
0x25: {  	[simem:s6], [sflag:s4] =	dma.local [hbm:s3], $0xF7A  }
0x26: {  	[smem:$0x3F9D] =	sst s1;
	(tag) =	ssettag s2;
	_ =	strace s9  }
0x27: {  	s1 =	sld [smem:$0x3FAD]  }
0x28: {  	s2 =	sld [smem:$0x3FAE]  }
0x29: {  	s4 =	sld [smem:$0x3FB0]  }
0x2a: {  	p0 =	seq.s32 s5, $0x0;
	s5 =	sld [smem:$0x3FB1]  }
0x2b: {  	s6 =	sld [smem:$0x3FB2]  }
0x2c: {  	s7 =	sld [smem:$0x3FB3]  }
0x2d: {  	s3 =	simm.s32 $0x108;
	s8 =	sld [smem:$0x3FB4]  }
0x2e: {  	s3 =	simm.s32 @!p0 $0x1082;
	s9 =	sld [smem:$0x3FB5]  }
0x2f: {  	lr =	sadd.s32 s0, s3;
	s0 =	sld [smem:$0x3FAC]  }
0x30: {  	s3 =	sld [smem:$0x3FAF]  }
0x31: {  	[smem:$0x3FB8] =	sst s10  }
0x32: {  	s10 =	sld [smem:$0x3FB6];
	_ =	sdelay $0x3  }
0x33: {  	p0 =	seq.s32 s10, $0x1;
	s10 =	sld [smem:$0x3FB8];
	_ =	sdelay $0x3  }
0x34: {  	[smem:$0x3FB8] =	sst s10  }
0x35: {  	s10 =	sld [smem:$0x3FB7];
	_ =	sdelay $0x3  }
0x36: {  	p1 =	seq.s32 s10, $0x1;
	s10 =	sld [smem:$0x3FB8];
	_ =	sdelay $0x3  }
0x37: {  	[smem:$0x3FB8] =	sst s10  }
0x38: {  	s10 =	sld [smem:$0x3FB9]  }
0x39: {  	_ = 	snop;
	(pc) =	sbr.ind lr, $3  }
0x3a: {  	_ = 	snop  }
0x3b: {  	_ = 	snop  }
0x3c: {  	p2 =	seq.s32 s10, $0x1;
	s10 =	sld [smem:$0x3FB8]  }
0x3d: {  	_ =	shalt  }
0x3e: {  	_ =	shalt  }
0x3f: {  	_ =	shalt  }
0x40: {  	_ =	shalt  }
0x41: {  	_ =	shalt  }
0x42: {  	_ =	shalt  }
0x43: {  	_ =	shalt  }
0x44: {  	_ =	shalt  }
0x45: {  	_ =	shalt  }
0x46: {  	_ =	shalt  }
0x47: {  	_ =	shalt  }
0x48: {  	_ =	shalt  }
0x49: {  	_ =	shalt  }
0x4a: {  	_ =	shalt  }
0x4b: {  	_ =	shalt  }
0x4c: {  	_ =	shalt  }
0x4d: {  	_ =	shalt  }
0x4e: {  	_ =	shalt  }
0x4f: {  	_ =	shalt  }
0x50: {  	_ =	shalt  }
0x51: {  	_ =	shalt  }
0x52: {  	_ =	shalt  }
0x53: {  	_ =	shalt  }
0x54: {  	_ =	shalt  }
0x55: {  	_ =	shalt  }
0x56: {  	_ =	shalt  }
0x57: {  	_ =	shalt  }
0x58: {  	_ =	shalt  }
0x59: {  	_ =	shalt  }
0x5a: {  	_ =	shalt  }
0x5b: {  	_ =	shalt  }
0x5c: {  	_ =	shalt  }
0x5d: {  	_ =	shalt  }
0x5e: {  	_ =	shalt  }
0x5f: {  	_ =	shalt  }
0x60: {  	_ =	shalt  }
0x61: {  	_ =	shalt  }
0x62: {  	_ =	shalt  }
0x63: {  	_ =	shalt  }
0x64: {  	_ =	shalt  }
0x65: {  	_ =	shalt  }
0x66: {  	_ =	shalt  }
0x67: {  	_ =	shalt  }
0x68: {  	_ =	shalt  }
0x69: {  	_ =	shalt  }
0x6a: {  	_ =	shalt  }
0x6b: {  	_ =	shalt  }
0x6c: {  	_ =	shalt  }
0x6d: {  	_ =	shalt  }
0x6e: {  	_ =	shalt  }
0x6f: {  	_ =	shalt  }
0x70: {  	_ =	shalt  }
0x71: {  	_ =	shalt  }
0x72: {  	_ =	shalt  }
0x73: {  	_ =	shalt  }
0x74: {  	_ =	shalt  }
0x75: {  	_ =	shalt  }
0x76: {  	_ =	shalt  }
0x77: {  	_ =	shalt  }
0x78: {  	_ =	shalt  }
0x79: {  	_ =	shalt  }
0x7a: {  	_ =	shalt  }
0x7b: {  	_ =	shalt  }
0x7c: {  	_ =	shalt  }
0x7d: {  	_ =	shalt  }
0x7e: {  	_ =	shalt  }
0x7f: {  	_ =	shalt  }
0x80: {  	_ =	shalt  }
0x81: {  	_ =	shalt  }
0x82: {  	_ =	shalt  }
0x83: {  	_ =	shalt  }
0x84: {  	_ =	shalt  }
0x85: {  	_ =	shalt  }
0x86: {  	_ =	shalt  }
0x87: {  	_ =	shalt  }
.Lfunc_end0:
.L_simem_size_0:
called_computation_lowered:
.L_overlay_start_0:
0x88: {  	s2 =	sld [smem:$0x3FD9]  }
0x89: {  	s3 =	sld [smem:$0x3FFE];
	_ =	sdelay $0x1  }
0x8a: {  	s1 =	srdreg.scid  }
0x8b: {  	s0 =	sand.u32 $0x1, s1  }
0x8c: {  	s14 =	sshll.u32 s0, $0xA;
	s2 =	sadd.s32 s3, s2  }
0x8d: {  	s2 =	sadd.s32 s2, s14  }
0x8e: {  	[smem:$0x3FC4] =	sst s2  }
0x8f: {  	_ = 	snop  }
0x90: {  	s2 =	sld [smem:$0x3FD0];
	_ =	sdelay $0x2  }
0x91: {  	s15 =	simm.s32 $0xA;
	s4 =	simm.s32 $0x10  }
0x92: {  	[smem:s4], [sflag:s15] =	dma.local [hbm:s2], $0x1  }
0x93: {  	_ =	swait.eq [sflag:s15], $0x1  }
0x94: {  	[sflag:s15] =	ssyncset.done $0x0  }
0x95: {  	[sflag:s15] =	ssyncadd.s32 $0xFFFFFFFF  }
0x96: {  	s16 =	sld [smem:$0x10];
	(tm) =	ssettm $0x1  }
0x97: {  	s17 =	sld [smem:$0x3FFB];
	_ =	sdelay $0x3  }
0x98: {  	_ =	strace s17  }
0x99: {  	s3 =	sld [smem:$0x3FFC];
	_ =	sdelay $0x3  }
0x9a: {  	_ =	strace s3  }
0x9b: {  	s3 =	sld [smem:$0x3FFD];
	_ =	sdelay $0x3  }
0x9c: {  	_ =	strace s3  }
0x9d: {  	_ =	strace $0x8FFFFFFF  }
0x9e: {  	s18 =	sld [smem:$0x3FDB];
	_ =	sdelay $0x1  }
0x9f: {  	s19 =	simm.s32 $_scs_section_size  }
0xa0: {  	s5 =	simm.s32 $_size__tile_overlayer_lowered;
	s6 =	simm.s32 $_tile_overlayer_lowered  }
0xa1: {  	s22 =	simm.s32 $0x1BFF;
	s21 =	sshll.u32 s6, $0x1;
	s3 =	sadd.s32 s19, s18  }
0xa2: {  	s7 =	simm.s32 $0x0;
	s20 =	sshll.u32 s5, $0x1;
	s5 =	sadd.s32 s21, s3  }
0xa3: {  	[timem:s7], [sflag:s22] =	dma.local [hbm:s5], s20  }
0xa4: {  	_ =	swait.ge [sflag:s22], s20  }
0xa5: {  	s4 =	ssub.s32 $0x0, s20;
	[sflag:s22] =	ssyncset.done $0x0  }
0xa6: {  	[sflag:s22] =	ssyncadd.s32 s4;
	_ =	sdelay $0x1  }
0xa7: {  	s23 =	simm.s32 $0x1B8B  }
0xa8: {  	_ =	swait.ge [sflag:s23], $0x1  }
0xa9: {  	[sflag:s23] =	ssyncset.done $0x0  }
0xaa: {  	s25 =	simm.s32 $0x1B8E;
	s24 =	sld [smem:$0x3FFE];
	[sflag:s23] =	ssyncadd.s32 $0xFFFFFFFF  }
0xab: {  	s26 =	simm.s32 $execute0_lowered;
	[smem:$0x3FD2] =	sst s25  }
0xac: {  	s5 =	sshll.u32 s26, $0x1;
	_ =	strace $0x80000046;
	[dreg:$0x1] =	wrdreg $0xFFFFFFFF  }
0xad: {  	s28 =	simm.s32 $_size_execute0_lowered;
	s3 =	sadd.s32 s3, s5;
	[dreg:$0x0] =	wrdreg $0x0  }
0xae: {  	s5 =	sshll.u32 s28, $0x1;
	[dreg:$0x2] =	wrdreg s3  }
0xaf: {  	[dreg:$0x3] =	wrdreg s5  }
0xb0: {  	[dreg:$0x4] =	wrdreg $0xC0  }
0xb1: {  	_ =	task [dreg:s7], $0x5FFFF  }
0xb2: {  	[dreg:$0x1] =	wrdreg $0xFFFFFFFF  }
0xb3: {  	[dreg:$0x0] =	wrdreg $0x60  }
0xb4: {  	[dreg:$0x2] =	wrdreg s16  }
0xb5: {  	[dreg:$0x3] =	wrdreg s24  }
0xb6: {  	[dreg:$0x4] =	wrdreg $0x9  }
0xb7: {  	_ =	task.clear_ibuf [dreg:s7], $0x5FFFF;
	_ =	strace $0x90000046  }
0xb8: {  	s29 =	simm.s32 $0x9;
	_ =	strace $0x80000048  }
0xb9: {  	_ =	swait.ge [sflag:s29], $0x1  }
0xba: {  	[sflag:s29] =	ssyncadd.s32 $0xFFFFFFFF  }
0xbb: {  	_ =	strace $0x90000048  }
0xbc: {  	_ =	sfence  }
0xbd: {  	s30 =	sld [smem:$0x0];
	_ =	sdelay $0x2  }
0xbe: {  	s31 =	sshll.u32 s1, $0xD;
	s1 =	sshrl.u32 s1, $0x2  }
0xbf: {  	s3 =	sand.u32 $0x4000, s31;
	s1 =	sadd.s32 s1, s30  }
0xc0: {  	s0 =	sor.u32 s3, s0;
	s1 =	sshll.u32 s1, $0x11  }
0xc1: {  	s0 =	sor.u32 s1, s0  }
0xc2: {  	s0 =	sadd.s32 $0x8F2B, s0  }
0xc3: {  	[sflag:s0] =	ssyncadd.remote.s32 $0x1  }
0xc4: {  	_ =	sfence.sel $0xFFFF  }
0xc5: {  	[dreg:$0x0] =	wrdreg $0xFFFFFFFF;
	(pc) =	sbr.abs _section_cstart, $3  }
0xc6: {  	[dreg:$0x1] =	wrdreg $0xFFFFFFFF  }
0xc7: {  	_ =	task.clear_ibuf [dreg:s7], $0x2FFFF;
	_ =	strace $0x9FFFFFFF  }
0xc8: {  	(tm) =	ssettm $0x7FFFFFFF  }
0xc9: {  	_ =	shalt  }
tec
execute0_lowered:
.L_overlay_start_1:
0x0: {  	(tag) =	ssettag $0x1  }
0x1: {  	s0 =	srdreg.scid  }
0x2: {  	s6 =	sand.u32 $0x1, s0;
	s0 =	stileid.u32  }
0x3: {  	s3 =	sshll.u32 s0, $0x1;
	s4 =	ssub.s32 $0x0, s6  }
0x4: {  	p0 =	sne.s32 s3, s4  }
.Ltmp0:
0x5: {  	_ = 	snop;
	(pc) =	sbr.rel @p0 .LBB2_4-.Ltmp0, $4  }
0x6: {  	_ = 	snop  }
0x7: {  	s2 =	rddreg [dreg:$0x0]  }
0x8: {  	s7 =	rddreg [dreg:$0x1]  }
0x9: {  	s1 =	rddreg [dreg:$0x2];
	_ =	strace $0x80000047  }
0xa: {  	s4 =	simm.s32 $0x0;
	s3 =	simm.s32 $0x1  }
0xb: {  	[tilespmem:s4], [sflag:$0x1] =	stream.linear.gather [hbm4b:s2+s4], $0x400, $0x38;
	[tilespmem:$0x600] =	vst v63  }
0xc: {  	_ =	swait.ge [sflag:s3], $0x400  }
0xd: {  	[sflag:s3] =	ssyncset.done $0x0  }
0xe: {  	[sflag:s3] =	ssyncadd.s32 $0xFFFFFC00  }
0xf: {  	v1 =	vld [tilespmem:$0x0]  }
0x10: {  	v2 =	vld [tilespmem:$0x80];
	_ =	sdelay $0x1  }
0x11: {  	v3 =	vld [tilespmem:$0x100];
	_ =	sdelay $0x1  }
0x12: {  	v4 =	vld [tilespmem:$0x180]  }
0x13: {  	vm0 =	vgt.f32 v2, v1  }
0x14: {  	v5 =	vld [tilespmem:$0x200];
	v0 =	vsel vm0, v2, v1  }
0x15: {  	vm1 =	vgt.f32 v3, v0  }
0x16: {  	v6 =	vld [tilespmem:$0x280];
	v0 =	vsel vm1, v3, v0  }
0x17: {  	vm2 =	vgt.f32 v4, v0  }
0x18: {  	v7 =	vld [tilespmem:$0x300];
	v8 =	vsel vm2, v4, v0  }
0x19: {  	vm3 =	vgt.f32 v5, v8  }
0x1a: {  	v9 =	vld [tilespmem:$0x380];
	v0 =	vimm.s32 $0x0;
	v8 =	vsel vm3, v5, v8  }
0x1b: {  	v10 =	vsel vm0, $0x1, v0;
	vm7 =	vgt.f32 v6, v8  }
0x1c: {  	v10 =	vsel vm1, $0x2, v10;
	v8 =	vsel vm7, v6, v8  }
0x1d: {  	v10 =	vsel vm2, $0x3, v10;
	vm1 =	vgt.f32 v7, v8  }
0x1e: {  	v10 =	vsel vm3, $0x4, v10;
	v8 =	vsel vm1, v7, v8  }
0x1f: {  	v10 =	vsel vm7, $0x5, v10;
	vm8 =	vgt.f32 v9, v8  }
0x20: {  	v10 =	vsel vm1, $0x6, v10;
	vm0 =	vmneg vm8  }
0x21: {  	v10 =	vnsel vm0, $0x7, v10  }
0x22: {  	vm9 =	veq.s32 v10, $0x0  }
0x23: {  	v1 =	vsel vm9, $0xFF800000, v1  }
0x24: {  	vm10 =	veq.s32 v10, $0x1;
	vm11 =	vgt.f32 v1, $-Inf  }
0x25: {  	v2 =	vsel vm10, $0xFF800000, v2;
	v1 =	vnsel vm11, $0xFF800000, v1  }
0x26: {  	vm12 =	veq.s32 v10, $0x2;
	vm3 =	vgt.f32 v2, v1  }
0x27: {  	v3 =	vsel vm12, $0xFF800000, v3;
	v1 =	vsel vm3, v2, v1  }
0x28: {  	vm13 =	veq.s32 v10, $0x3;
	vm4 =	vgt.f32 v3, v1  }
0x29: {  	v2 =	vsel vm13, $0xFF800000, v4;
	v1 =	vsel vm4, v3, v1  }
0x2a: {  	vm14 =	veq.s32 v10, $0x4;
	vm5 =	vgt.f32 v2, v1  }
0x2b: {  	v3 =	vsel vm14, $0xFF800000, v5;
	v1 =	vsel vm5, v2, v1  }
0x2c: {  	vm15 =	veq.s32 v10, $0x5;
	vm6 =	vgt.f32 v3, v1  }
0x2d: {  	v2 =	vsel vm15, $0xFF800000, v6;
	v1 =	vsel vm6, v3, v1  }
0x2e: {  	vm1 =	vmand vm1, vm0;
	vm2 =	vgt.f32 v2, v1  }
0x2f: {  	v3 =	vsel vm1, $0xFF800000, v7;
	v1 =	vsel vm2, v2, v1  }
0x30: {  	vm1 =	vgt.f32 v3, v1  }
0x31: {  	v2 =	vnsel vm0, $0xFF800000, v9;
	v1 =	vsel vm1, v3, v1  }
0x32: {  	vm7 =	vgt.f32 v2, v1  }
0x33: {  	v3 =	vsel vm0, v8, v9;
	v1 =	vsel vm7, v2, v1  }
0x34: {  	v1 =	vsub.f32 v1, v3;
	_ =	sdelay $0x1  }
0x35: {  	v1 =	vmul.f32 $1.442695020e+00, v1;
	_ =	sdelay $0x1  }
0x36: {  	(erf) = vpow2.f32 v1;
	_ =	sdelay $0x8  }
0x37: {  	v1 =	vpop (erf)  }
0x38: {  	v2 =	vadd.f32 $1.000000000e+00, v1;
	_ =	sdelay $0x1  }
0x39: {  	(erf) = vrcp.f32 v2;
	_ =	sdelay $0x2  }
0x3a: {  	v2 =	vsel vm3, $0x1, v0  }
0x3b: {  	v2 =	vsel vm4, $0x2, v2  }
0x3c: {  	v2 =	vsel vm5, $0x3, v2  }
0x3d: {  	v2 =	vsel vm6, $0x4, v2  }
0x3e: {  	v2 =	vsel vm2, $0x5, v2  }
0x3f: {  	s8 =	ssub.s32 $0x2, s6;
	v2 =	vsel vm1, $0x6, v2  }
0x40: {  	s9 =	sshrl.u32 s8, $0x1;
	[tilespmem:$0x400] =	vst v10;
	v2 =	vsel vm7, $0x7, v2;
	v3 =	vpop (erf)  }
0x41: {  	s8 =	ssub.s32 s8, s9;
	[tilespmem:$0x480] =	vst v2;
	v1 =	vmul.f32 v3, v1  }
0x42: {  	s9 =	smax.u32 s8, $0x1;
	[tilespmem:$0x500] =	vst v3  }
0x43: {  	s5 =	sadd.s32 $0x1600, s7;
	s6 =	simm.s32 $0x400;
	p0 =	sne.s32 s9, $0x1;
	[tilespmem:$0x580] =	vst v1  }
0x44: {  	[hbm4b:s5+s4] =	stream.linear.scatter [tilespmem:s6], [sflag:$0x1], $0x100, $0x38;
	[tilespmem:$0x600] =	vst v63  }
.Ltmp1:
0x45: {  	_ =	swait.ge [sflag:s3], $0x100;
	(pc) =	sbr.rel @!p0 .LBB2_3-.Ltmp1, $4  }
0x46: {  	[sflag:s3] =	ssyncset.done $0x0  }
0x47: {  	s7 =	sadd.s32 $0x1800, s7;
	s8 =	simm.s32 $0x500;
	[sflag:s3] =	ssyncadd.s32 $0xFFFFFF00  }
0x48: {  	[hbm4b:s7+s4] =	stream.linear.scatter [tilespmem:s8], [sflag:$0x1], $0x100, $0x38;
	[tilespmem:$0x600] =	vst v63  }
0x49: {  	s9 =	sadd.s32 $0xFFFFFFFF, s9;
	_ =	swait.ge [sflag:s3], $0x100  }
.LBB2_2:
0x4a: {  	p0 =	sne.s32 s9, $0x1;
	s9 =	sadd.s32 $0xFFFFFFFF, s9;
	[sflag:s3] =	ssyncset.done $0x0  }
0x4b: {  	[sflag:s3] =	ssyncadd.s32 $0xFFFFFF00  }
0x4c: {  	[tilespmem:s4], [sflag:$0x1] =	stream.linear.gather [hbm4b:s2+s4], $0x400, $0x38;
	[tilespmem:$0x600] =	vst v63  }
0x4d: {  	_ =	swait.ge [sflag:s3], $0x400  }
0x4e: {  	[sflag:s3] =	ssyncset.done $0x0  }
0x4f: {  	[sflag:s3] =	ssyncadd.s32 $0xFFFFFC00  }
0x50: {  	v1 =	vld [tilespmem:$0x0]  }
0x51: {  	v2 =	vld [tilespmem:$0x80]  }
0x52: {  	v3 =	vld [tilespmem:$0x100];
	_ =	sdelay $0x1  }
0x53: {  	v4 =	vld [tilespmem:$0x180];
	_ =	sdelay $0x1  }
0x54: {  	v5 =	vld [tilespmem:$0x200];
	vm0 =	vgt.f32 v2, v1  }
0x55: {  	v6 =	vsel vm0, v2, v1  }
0x56: {  	v7 =	vld [tilespmem:$0x280];
	vm1 =	vgt.f32 v3, v6  }
0x57: {  	v6 =	vsel vm1, v3, v6  }
0x58: {  	v8 =	vld [tilespmem:$0x300];
	vm2 =	vgt.f32 v4, v6  }
0x59: {  	v6 =	vsel vm2, v4, v6  }
0x5a: {  	v9 =	vld [tilespmem:$0x380];
	vm3 =	vgt.f32 v5, v6  }
0x5b: {  	v10 =	vsel vm0, $0x1, v0;
	v6 =	vsel vm3, v5, v6  }
0x5c: {  	v10 =	vsel vm1, $0x2, v10;
	vm0 =	vgt.f32 v7, v6  }
0x5d: {  	v10 =	vsel vm2, $0x3, v10;
	v6 =	vsel vm0, v7, v6  }
0x5e: {  	v10 =	vsel vm3, $0x4, v10;
	vm1 =	vgt.f32 v8, v6  }
0x5f: {  	v10 =	vsel vm0, $0x5, v10;
	v6 =	vsel vm1, v8, v6  }
0x60: {  	v10 =	vsel vm1, $0x6, v10;
	vm0 =	vgt.f32 v9, v6  }
0x61: {  	vm0 =	vmneg vm0  }
0x62: {  	v6 =	vsel vm0, v6, v9;
	v10 =	vnsel vm0, $0x7, v10;
	vm1 =	vmand vm1, vm0  }
0x63: {  	vm2 =	veq.s32 v10, $0x0;
	vm3 =	veq.s32 v10, $0x1;
	vm4 =	veq.s32 v10, $0x2;
	[tilespmem:$0x400] =	vst v10  }
0x64: {  	vm5 =	veq.s32 v10, $0x4;
	v1 =	vsel vm2, $0xFF800000, v1;
	vm2 =	veq.s32 v10, $0x3  }
0x65: {  	v2 =	vsel vm3, $0xFF800000, v2;
	vm3 =	veq.s32 v10, $0x5;
	vm6 =	vgt.f32 v1, $-Inf  }
0x66: {  	v1 =	vnsel vm6, $0xFF800000, v1  }
0x67: {  	v3 =	vsel vm4, $0xFF800000, v3;
	vm6 =	vgt.f32 v2, v1  }
0x68: {  	v1 =	vsel vm6, v2, v1  }
0x69: {  	v2 =	vsel vm2, $0xFF800000, v4;
	vm4 =	vgt.f32 v3, v1  }
0x6a: {  	v4 =	vsel vm6, $0x1, v0;
	v1 =	vsel vm4, v3, v1  }
0x6b: {  	v3 =	vsel vm4, $0x2, v4;
	v4 =	vsel vm5, $0xFF800000, v5;
	vm2 =	vgt.f32 v2, v1  }
0x6c: {  	v1 =	vsel vm2, v2, v1;
	v2 =	vsel vm2, $0x3, v3  }
0x6d: {  	v3 =	vsel vm3, $0xFF800000, v7;
	vm2 =	vgt.f32 v4, v1  }
0x6e: {  	v1 =	vsel vm2, v4, v1;
	v2 =	vsel vm2, $0x4, v2  }
0x6f: {  	v4 =	vsel vm1, $0xFF800000, v8;
	vm2 =	vgt.f32 v3, v1  }
0x70: {  	v1 =	vsel vm2, v3, v1;
	v2 =	vsel vm2, $0x5, v2  }
0x71: {  	v3 =	vnsel vm0, $0xFF800000, v9;
	vm1 =	vgt.f32 v4, v1  }
0x72: {  	v1 =	vsel vm1, v4, v1;
	v2 =	vsel vm1, $0x6, v2  }
0x73: {  	vm0 =	vgt.f32 v3, v1  }
0x74: {  	v1 =	vsel vm0, v3, v1;
	v2 =	vsel vm0, $0x7, v2  }
0x75: {  	v1 =	vsub.f32 v1, v6;
	[tilespmem:$0x480] =	vst v2;
	_ =	sdelay $0x1  }
0x76: {  	v1 =	vmul.f32 $1.442695020e+00, v1;
	_ =	sdelay $0x1  }
0x77: {  	(erf) = vpow2.f32 v1;
	_ =	sdelay $0x8  }
0x78: {  	v1 =	vpop (erf)  }
0x79: {  	v2 =	vadd.f32 $1.000000000e+00, v1;
	_ =	sdelay $0x1  }
0x7a: {  	(erf) = vrcp.f32 v2;
	_ =	sdelay $0x8  }
0x7b: {  	v2 =	vpop (erf)  }
0x7c: {  	v1 =	vmul.f32 v2, v1;
	[tilespmem:$0x500] =	vst v2;
	_ =	sdelay $0x1  }
0x7d: {  	[tilespmem:$0x580] =	vst v1  }
0x7e: {  	[hbm4b:s5+s4] =	stream.linear.scatter [tilespmem:s6], [sflag:$0x1], $0x100, $0x38;
	[tilespmem:$0x600] =	vst v63  }
.Ltmp2:
0x7f: {  	_ =	swait.ge [sflag:s3], $0x100;
	(pc) =	sbr.rel @p0 .LBB2_2-.Ltmp2, $4  }
0x80: {  	[sflag:s3] =	ssyncset.done $0x0  }
0x81: {  	[sflag:s3] =	ssyncadd.s32 $0xFFFFFF00  }
0x82: {  	[hbm4b:s7+s4] =	stream.linear.scatter [tilespmem:s8], [sflag:$0x1], $0x100, $0x38;
	[tilespmem:$0x600] =	vst v63  }
0x83: {  	_ =	swait.ge [sflag:s3], $0x100  }
.LBB2_3:
0x84: {  	[sflag:s3] =	ssyncset.done $0x0  }
0x85: {  	[sflag:s3] =	ssyncadd.s32 $0xFFFFFF00  }
.LBB2_4:
0x86: {  	_ =	sfence.sel $0x180000  }
0x87: {  	[bflag:$0x0] =	sbarrier.arrive $0xFFFF  }
0x88: {  	p0 =	sne.s32 s0, $0x0;
	_ =	strace $0x90000047  }
0x89: {  	s0 =	sadd.s32 @!p0 $0x100000, s1;
	[bflag:$0x2] =	sbarrier.arrive $0xFFFF  }
0x8a: {  	[sflag:s0] =	ssyncadd.tile.s32 @!p0 $0x1;
	_ =	shalt  }
.Lfunc_end2:
_tile_overlayer_lowered:
.L_overlay_start_2:
0x8b: {  	(tag) =	ssettag $0x2  }
0x8c: {  	s0 =	rddreg [dreg:$0x0];
	s2 =	stileid.u32  }
0x8d: {  	s1 =	rddreg [dreg:$0x1];
	p0 =	sne.s32 s2, $0x0  }
0x8e: {  	s3 =	rddreg [dreg:$0x2];
	[bflag:$0x3] =	sbarrier.arrive $0xFFFF;
	s2 =	simm.s32 @!p0 $0x1C01  }
0x8f: {  	[timem:s3], [sflag:s2] =	dma.local @!p0 [hbm:s0], s1  }
0x90: {  	s0 =	simm.s32 @!p0 $0x1  }
0x91: {  	_ =	swait.ge @!p0 [sflag:s0], s1  }
0x92: {  	s1 =	ssub.s32 @!p0 $0x0, s1;
	[sflag:s0] =	ssyncset.done @!p0 $0x0  }
0x93: {  	[sflag:s0] =	ssyncadd.s32 @!p0 s1  }
0x94: {  	[bflag:$0x3] =	sbarrier.arrive $0xFFFF  }
0x95: {  	_ =	shalt  }

</sc_bundles>
